<compile_context>
chip_gen: v7x
topology: tpu7x:2x2x1
jax: 0.10.2.dev20260603
libtpu: 0.0.44.dev20260713+nightly
codegen_flags: <defaults>
</compile_context>

<pallas_src>
import jax
import jax.numpy as jnp
from jax import lax
from jax.experimental import pallas as pl
from jax.experimental.pallas import tpu as pltpu
from jax.experimental.pallas import tpu_sc as plsc

N_CH = 192
N_PTS = 7
BOUND = 2.7
N_REG = N_PTS - 1
ROW = 224 * 224
NROWS = 4 * N_CH
NW = 32
NBUF = 4
CPR = 4
CHUNK = ROW // CPR
LANES = 16

_INV_LEN = float(N_REG) / (2.0 * BOUND)
_SHIFT = BOUND * _INV_LEN


def _take16(vec, idx):
  return vec.at[idx].get(mode="promise_in_bounds")


def _body(x_hbm, pts_hbm, out_hbm, pts_row, inbufs, outbufs, isems, osems):
  wid = lax.axis_index("s") * 2 + lax.axis_index("c")
  rows_per_w = NROWS // NW
  chunks_per_w = rows_per_w * CPR
  base_chunk = wid * chunks_per_w

  def start_in(g, b):
    pltpu.async_copy(x_hbm.at[pl.ds((base_chunk + g) * CHUNK, CHUNK)],
                     inbufs[b], isems[b])

  def wait_in(b):
    pltpu.make_async_copy(x_hbm.at[pl.ds(0, CHUNK)], inbufs[b],
                          isems[b]).wait()

  def start_out(g, b):
    pltpu.async_copy(outbufs[b],
                     out_hbm.at[pl.ds((base_chunk + g) * CHUNK, CHUNK)],
                     osems[b])

  def wait_out(b):
    pltpu.make_async_copy(outbufs[b], out_hbm.at[pl.ds(0, CHUNK)],
                          osems[b]).wait()

  for b in range(NBUF):
    start_in(b, b)

  lanes = lax.iota(jnp.int32, LANES)
  shift_idx = jnp.minimum(lanes + 1, LANES - 1)
  lanes_f = lanes.astype(jnp.float32)

  def row_body(j, carry):
    row = wid * rows_per_w + j
    ch = lax.rem(row, N_CH)
    pltpu.sync_copy(pts_hbm.at[ch], pts_row)
    p = pts_row[...]
    d = _take16(p, shift_idx) - p
    a = p - lanes_f * d

    for bb in range(CPR):
      g = j * CPR + bb
      b = bb
      wait_in(b)

      @pl.when(g >= NBUF)
      def _():
        wait_out(b)

      @plsc.parallel_loop(0, CHUNK, step=LANES, unroll=16)
      def _(off):
        xv = inbufs[b][pl.ds(off, LANES)]
        xn = xv * _INV_LEN + _SHIFT
        ri = jnp.clip(xn, 0.0, 5.9999995).astype(jnp.int32)
        outbufs[b][pl.ds(off, LANES)] = (
            _take16(a, ri) + xn * _take16(d, ri))

      start_out(g, b)

      @pl.when(g < chunks_per_w - NBUF)
      def _():
        start_in(g + NBUF, b)

    return carry

  lax.fori_loop(0, rows_per_w, row_body, 0)
  for b in range(NBUF):
    wait_out(b)


@jax.jit
def _pwlu_sc(x_flat, pts_pad):
  mesh = plsc.VectorSubcoreMesh(core_axis_name="c", subcore_axis_name="s")
  return pl.kernel(
      _body,
      out_type=jax.ShapeDtypeStruct((NROWS * ROW,), jnp.float32),
      mesh=mesh,
      scratch_types=[
          pltpu.VMEM((LANES,), jnp.float32),
          [pltpu.VMEM((CHUNK,), jnp.float32) for _ in range(NBUF)],
          [pltpu.VMEM((CHUNK,), jnp.float32) for _ in range(NBUF)],
          [pltpu.SemaphoreType.DMA for _ in range(NBUF)],
          [pltpu.SemaphoreType.DMA for _ in range(NBUF)],
      ],
  )(x_flat, pts_pad)


def kernel(x, points):
  pts_pad = jnp.zeros((N_CH, LANES), jnp.float32).at[:, :N_PTS].set(points)
  out = _pwlu_sc(x.reshape(-1), pts_pad)
  return out.reshape(x.shape)

# --- scband reference (transcript-rebuilt; emitter-appended) ---
"""Pipeline reference for scband-pwlu-84756884619350 (READ-ONLY COPY).

The authoritative reference and input builder live on the scoring server;
editing this copy changes nothing except your own understanding.
"""

import jax, jax.numpy as jnp
import numpy as np

N_CHANNELS = 192
N_REGIONS = 6
N_POINTS = N_REGIONS + 1
BOUND = 2.7


def setup_inputs(seed: int = 0) -> dict:
    key = jax.random.key(seed)
    k1, k2 = jax.random.split(key)
    x = jax.random.normal(k1, (4, N_CHANNELS, 224, 224), dtype=jnp.float32)
    # PWLU learnable points, initialized as relu(linspace(-bound, bound)) per channel
    locs = jnp.linspace(-BOUND, BOUND, N_POINTS, dtype=jnp.float32)
    locs = jnp.tile(locs[None, :], (N_CHANNELS, 1))
    points = jnp.maximum(locs, 0.0) + 0.01 * jax.random.normal(
        k2, (N_CHANNELS, N_POINTS), dtype=jnp.float32)
    return {"x": x, "points": points}


def reference(x, points):
    # Faithful port of _pwlu_forward with channelwise points [C, n_points],
    # scalar (non-learnable) bounds left=-BOUND, right=+BOUND.
    n_points = points.shape[-1]
    n_regions = n_points - 1
    left_bound = -BOUND
    right_bound = BOUND
    region_length = (right_bound - left_bound) / n_regions
    # diffs = (points - roll(points, 1))[..., 1:]  == points[:,1:] - points[:,:-1]
    diffs = points[..., 1:] - points[..., :-1]
    x_normal = (x - left_bound) / region_length
    # regions = x_normal.clamp(0, n_regions-1).long()
    regions = jax.lax.stop_gradient(
        jnp.clip(jnp.floor(x_normal), 0, n_regions - 1)).astype(jnp.int32)
    dists = x_normal - regions.astype(x.dtype)
    n_channels = points.shape[0]
    # channelwise packed flat indices: c * (n_points - 1) + region
    offsets = (jnp.arange(n_channels, dtype=jnp.int32) * (n_points - 1)).reshape(
        1, n_channels, 1, 1)
    regions_packed = regions + offsets
    left_points = jnp.take(points[..., :-1].reshape(-1), regions_packed)
    d = jnp.take(diffs.reshape(-1), regions_packed)
    ret = left_points + dists * d
    return ret

if __name__ == "__main__":
    import jax
    _d = setup_inputs()
    print(jax.jit(kernel)(*tuple(_d.values())))

</pallas_src>

<mosaic_0001>
#map = affine_map<(d0, d1) -> (0)>
#map1 = affine_map<(d0, d1) -> (0, 0)>
module attributes {stable_mosaic.version = 14 : i64} {
  func.func @_body(%arg0: i32, %arg1: i32, %arg2: memref<38535168xf32, #tpu.memory_space<hbm>>, %arg3: memref<192x16xf32, #tpu.memory_space<hbm>>, %arg4: memref<38535168xf32, #tpu.memory_space<hbm>>, %arg5: memref<16xf32, #tpu.memory_space<vmem>>, %arg6: memref<12544xf32, #tpu.memory_space<vmem>>, %arg7: memref<12544xf32, #tpu.memory_space<vmem>>, %arg8: memref<12544xf32, #tpu.memory_space<vmem>>, %arg9: memref<12544xf32, #tpu.memory_space<vmem>>, %arg10: memref<12544xf32, #tpu.memory_space<vmem>>, %arg11: memref<12544xf32, #tpu.memory_space<vmem>>, %arg12: memref<12544xf32, #tpu.memory_space<vmem>>, %arg13: memref<12544xf32, #tpu.memory_space<vmem>>, %arg14: memref<!tpu.dma_semaphore, #tpu.memory_space<semaphore_mem>>, %arg15: memref<!tpu.dma_semaphore, #tpu.memory_space<semaphore_mem>>, %arg16: memref<!tpu.dma_semaphore, #tpu.memory_space<semaphore_mem>>, %arg17: memref<!tpu.dma_semaphore, #tpu.memory_space<semaphore_mem>>, %arg18: memref<!tpu.dma_semaphore, #tpu.memory_space<semaphore_mem>>, %arg19: memref<!tpu.dma_semaphore, #tpu.memory_space<semaphore_mem>>, %arg20: memref<!tpu.dma_semaphore, #tpu.memory_space<semaphore_mem>>, %arg21: memref<!tpu.dma_semaphore, #tpu.memory_space<semaphore_mem>>) attributes {dimension_semantics = [#tpu.dimension_semantics<core_parallel>, #tpu.dimension_semantics<subcore_parallel>], iteration_bounds = array<i64: 2, 16>, scalar_prefetch = 0 : i64, scratch_operands = 17 : i64, tpu.core_type = #tpu.core_type<sc_vector_subcore>, window_params = [{transform_indices = #map}, {transform_indices = #map1}, {transform_indices = #map}]} {
    %mul3A = arith.constant 2 : i32
    %mul3A_0 = arith.muli %arg1, %mul3A : i32
    %add3A = arith.addi %mul3A_0, %arg0 : i32
    %mul3A_1 = arith.constant 96 : i32
    %mul3A_2 = arith.muli %add3A, %mul3A_1 : i32
    %add3A_3 = arith.constant 0 : i32
    %add3A_4 = arith.addi %mul3A_2, %add3A_3 : i32
    %mul3A_5 = arith.constant 12544 : i32
    %mul3A_6 = arith.muli %add3A_4, %mul3A_5 : i32
    %dma_start3A = tpu.memref_slice %arg2[%mul3A_6] : memref<38535168xf32, #tpu.memory_space<hbm>> -> memref<12544xf32, #tpu.memory_space<hbm>>
    %dma_start3A_7 = tpu.memref_slice %arg2[%mul3A_6] : memref<38535168xf32, #tpu.memory_space<hbm>> -> memref<12544xf32, #tpu.memory_space<hbm>>
    tpu.enqueue_dma source(%dma_start3A_7 : memref<12544xf32, #tpu.memory_space<hbm>>) target(%arg6 : memref<12544xf32, #tpu.memory_space<vmem>>) target_semaphore(%arg14 : memref<!tpu.dma_semaphore, #tpu.memory_space<semaphore_mem>>)
    %add3A_8 = arith.constant 1 : i32
    %add3A_9 = arith.addi %mul3A_2, %add3A_8 : i32
    %mul3A_10 = arith.constant 12544 : i32
    %mul3A_11 = arith.muli %add3A_9, %mul3A_10 : i32
    %dma_start3A_12 = tpu.memref_slice %arg2[%mul3A_11] : memref<38535168xf32, #tpu.memory_space<hbm>> -> memref<12544xf32, #tpu.memory_space<hbm>>
    %dma_start3A_13 = tpu.memref_slice %arg2[%mul3A_11] : memref<38535168xf32, #tpu.memory_space<hbm>> -> memref<12544xf32, #tpu.memory_space<hbm>>
    tpu.enqueue_dma source(%dma_start3A_13 : memref<12544xf32, #tpu.memory_space<hbm>>) target(%arg7 : memref<12544xf32, #tpu.memory_space<vmem>>) target_semaphore(%arg15 : memref<!tpu.dma_semaphore, #tpu.memory_space<semaphore_mem>>)
    %add3A_14 = arith.constant 2 : i32
    %add3A_15 = arith.addi %mul3A_2, %add3A_14 : i32
    %mul3A_16 = arith.constant 12544 : i32
    %mul3A_17 = arith.muli %add3A_15, %mul3A_16 : i32
    %dma_start3A_18 = tpu.memref_slice %arg2[%mul3A_17] : memref<38535168xf32, #tpu.memory_space<hbm>> -> memref<12544xf32, #tpu.memory_space<hbm>>
    %dma_start3A_19 = tpu.memref_slice %arg2[%mul3A_17] : memref<38535168xf32, #tpu.memory_space<hbm>> -> memref<12544xf32, #tpu.memory_space<hbm>>
    tpu.enqueue_dma source(%dma_start3A_19 : memref<12544xf32, #tpu.memory_space<hbm>>) target(%arg8 : memref<12544xf32, #tpu.memory_space<vmem>>) target_semaphore(%arg16 : memref<!tpu.dma_semaphore, #tpu.memory_space<semaphore_mem>>)
    %add3A_20 = arith.constant 3 : i32
    %add3A_21 = arith.addi %mul3A_2, %add3A_20 : i32
    %mul3A_22 = arith.constant 12544 : i32
    %mul3A_23 = arith.muli %add3A_21, %mul3A_22 : i32
    %dma_start3A_24 = tpu.memref_slice %arg2[%mul3A_23] : memref<38535168xf32, #tpu.memory_space<hbm>> -> memref<12544xf32, #tpu.memory_space<hbm>>
    %dma_start3A_25 = tpu.memref_slice %arg2[%mul3A_23] : memref<38535168xf32, #tpu.memory_space<hbm>> -> memref<12544xf32, #tpu.memory_space<hbm>>
    tpu.enqueue_dma source(%dma_start3A_25 : memref<12544xf32, #tpu.memory_space<hbm>>) target(%arg9 : memref<12544xf32, #tpu.memory_space<vmem>>) target_semaphore(%arg17 : memref<!tpu.dma_semaphore, #tpu.memory_space<semaphore_mem>>)
    %iota3A = tpu.iota {dimensions = array<i32: 0>} : vector<16xi32>
    %add3A_26 = arith.constant 1 : i32
    %add3A_27 = vector.broadcast %add3A_26 : i32 to vector<16xi32>
    %add3A_28 = arith.addi %iota3A, %add3A_27 : vector<16xi32>
    %min3A = arith.constant 15 : i32
    %min3A_29 = vector.broadcast %min3A : i32 to vector<16xi32>
    %min3A_30 = arith.minsi %add3A_28, %min3A_29 : vector<16xi32>
    %convert_element_type3A = arith.sitofp %iota3A : vector<16xi32> to vector<16xf32>
    %scan3A = arith.constant 0 : i32
    %scan3A_31 = arith.constant 0 : i32
    %scan3A_32 = arith.constant 24 : i32
    %scan3A_33 = arith.addi %scan3A_31, %scan3A_32 : i32
    %scan3A_34 = arith.constant 1 : i32
    scf.for %scan3A_51 = %scan3A_31 to %scan3A_33 step %scan3A_34  : i32 {
      %mul3A_52 = arith.constant 24 : i32
      %mul3A_53 = arith.muli %add3A, %mul3A_52 : i32
      %add3A_54 = arith.addi %mul3A_53, %scan3A_51 : i32
      %rem3A = arith.constant 192 : i32
      %rem3A_55 = arith.remsi %add3A_54, %rem3A : i32
      "tpu.region"() ({
        %run_scoped3A = tpu.sem_alloc : memref<!tpu.dma_semaphore, #tpu.memory_space<semaphore_mem>>
        %dma_start3A_167 = arith.constant 0 : i32
        %dma_start3A_168 = tpu.memref_slice %arg3[%rem3A_55, %dma_start3A_167] : memref<192x16xf32, #tpu.memory_space<hbm>> -> memref<1x16xf32, #tpu.memory_space<hbm>>
        %dma_start3A_169 = tpu.memref_squeeze %dma_start3A_168 : memref<1x16xf32, #tpu.memory_space<hbm>> -> memref<16xf32, #tpu.memory_space<hbm>>
        %dma_start3A_170 = arith.constant 0 : i32
        %dma_start3A_171 = tpu.memref_slice %arg3[%rem3A_55, %dma_start3A_170] : memref<192x16xf32, #tpu.memory_space<hbm>> -> memref<1x16xf32, #tpu.memory_space<hbm>>
        %dma_start3A_172 = tpu.memref_squeeze %dma_start3A_171 : memref<1x16xf32, #tpu.memory_space<hbm>> -> memref<16xf32, #tpu.memory_space<hbm>>
        tpu.enqueue_dma source(%dma_start3A_172 : memref<16xf32, #tpu.memory_space<hbm>>) target(%arg5 : memref<16xf32, #tpu.memory_space<vmem>>) target_semaphore(%run_scoped3A : memref<!tpu.dma_semaphore, #tpu.memory_space<semaphore_mem>>)
        %dma_wait3A_173 = arith.constant 0 : i32
        %dma_wait3A_174 = tpu.memref_slice %arg3[%rem3A_55, %dma_wait3A_173] : memref<192x16xf32, #tpu.memory_space<hbm>> -> memref<1x16xf32, #tpu.memory_space<hbm>>
        %dma_wait3A_175 = tpu.memref_squeeze %dma_wait3A_174 : memref<1x16xf32, #tpu.memory_space<hbm>> -> memref<16xf32, #tpu.memory_space<hbm>>
        %dma_wait3A_176 = arith.constant 0 : i32
        %dma_wait3A_177 = tpu.memref_slice %arg3[%rem3A_55, %dma_wait3A_176] : memref<192x16xf32, #tpu.memory_space<hbm>> -> memref<1x16xf32, #tpu.memory_space<hbm>>
        %dma_wait3A_178 = tpu.memref_squeeze %dma_wait3A_177 : memref<1x16xf32, #tpu.memory_space<hbm>> -> memref<16xf32, #tpu.memory_space<hbm>>
        tpu.wait_dma2 semaphore(%run_scoped3A : memref<!tpu.dma_semaphore, #tpu.memory_space<semaphore_mem>>) src(%dma_wait3A_178 : memref<16xf32, #tpu.memory_space<hbm>>) dst(%arg5 : memref<16xf32, #tpu.memory_space<vmem>>)
        tpu.yield
      }) : () -> ()
      %get3A = arith.constant 0 : index
      %get3A_56 = tpu.vector_load %arg5[%get3A] {strides = array<i32>} : memref<16xf32, #tpu.memory_space<vmem>>, vector<16xf32>,
      %get3A_57 = vector.shape_cast %get3A_56 : vector<16xf32> to vector<16xf32>
      %lt3A = arith.constant 0 : i32
      %lt3A_58 = vector.broadcast %lt3A : i32 to vector<16xi32>
      %lt3A_59 = arith.cmpi slt, %min3A_30, %lt3A_58 : vector<16xi32>
      %add3A_60 = arith.constant 16 : i32
      %add3A_61 = vector.broadcast %add3A_60 : i32 to vector<16xi32>
      %add3A_62 = arith.addi %min3A_30, %add3A_61 : vector<16xi32>
      %select_n3A = arith.select %lt3A_59, %add3A_62, %min3A_30 : vector<16xi1>, vector<16xi32>
      %broadcast_in_dim3A = vector.shape_cast %select_n3A : vector<16xi32> to vector<16x1xi32>
      %gather3A = vector.shape_cast %broadcast_in_dim3A : vector<16x1xi32> to vector<16xi32>
      %gather3A_63 = tpu.dynamic_gather %get3A_57[%gather3A] in [0] : vector<16xf32>, vector<16xi32> -> vector<16xf32>
      %sub3A = arith.subf %gather3A_63, %get3A_57 : vector<16xf32>
      %mul3A_64 = arith.mulf %convert_element_type3A, %sub3A : vector<16xf32>
      %sub3A_65 = arith.subf %get3A_57, %mul3A_64 : vector<16xf32>
      %mul3A_66 = arith.constant 4 : i32
      %mul3A_67 = arith.muli %scan3A_51, %mul3A_66 : i32
      %add3A_68 = arith.constant 0 : i32
      %add3A_69 = arith.addi %mul3A_67, %add3A_68 : i32
      %dma_wait3A_70 = arith.constant 0 : i32
      %dma_wait3A_71 = tpu.memref_slice %arg2[%dma_wait3A_70] : memref<38535168xf32, #tpu.memory_space<hbm>> -> memref<12544xf32, #tpu.memory_space<hbm>>
      %dma_wait3A_72 = arith.constant 0 : i32
      %dma_wait3A_73 = tpu.memref_slice %arg2[%dma_wait3A_72] : memref<38535168xf32, #tpu.memory_space<hbm>> -> memref<12544xf32, #tpu.memory_space<hbm>>
      tpu.wait_dma2 semaphore(%arg14 : memref<!tpu.dma_semaphore, #tpu.memory_space<semaphore_mem>>) src(%dma_wait3A_73 : memref<12544xf32, #tpu.memory_space<hbm>>) dst(%arg6 : memref<12544xf32, #tpu.memory_space<vmem>>)
      %ge3A = arith.constant 4 : i32
      %ge3A_74 = arith.cmpi sge, %add3A_69, %ge3A : i32
      %convert_element_type3A_75 = arith.extui %ge3A_74 : i1 to i32
      %cond3A = arith.constant 0 : i32
      %cond3A_76 = arith.cmpi ne, %convert_element_type3A_75, %cond3A : i32
      scf.if %cond3A_76 {
        %dma_wait3A_167 = arith.constant 0 : i32
        %dma_wait3A_168 = tpu.memref_slice %arg4[%dma_wait3A_167] : memref<38535168xf32, #tpu.memory_space<hbm>> -> memref<12544xf32, #tpu.memory_space<hbm>>
        %dma_wait3A_169 = arith.constant 0 : i32
        %dma_wait3A_170 = tpu.memref_slice %arg4[%dma_wait3A_169] : memref<38535168xf32, #tpu.memory_space<hbm>> -> memref<12544xf32, #tpu.memory_space<hbm>>
        tpu.wait_dma2 semaphore(%arg18 : memref<!tpu.dma_semaphore, #tpu.memory_space<semaphore_mem>>) src(%arg10 : memref<12544xf32, #tpu.memory_space<vmem>>) dst(%dma_wait3A_170 : memref<12544xf32, #tpu.memory_space<hbm>>)
      } else {
      }
      %parallel_loop3A = arith.constant 0 : i32
      %parallel_loop3A_77 = arith.constant 12544 : i32
      %parallel_loop3A_78 = arith.constant 16 : i32
      scf.for %parallel_loop3A_167 = %parallel_loop3A to %parallel_loop3A_77 step %parallel_loop3A_78  : i32 {
        %parallel_loop3A_168 = arith.index_cast %parallel_loop3A_167 : i32 to index
        %parallel_loop3A_169 = tpu.vector_load %arg6[%parallel_loop3A_168] {strides = array<i32>} : memref<12544xf32, #tpu.memory_space<vmem>>, vector<16xf32>,
        %parallel_loop3A_170 = vector.shape_cast %parallel_loop3A_169 : vector<16xf32> to vector<16xf32>
        %parallel_loop3A_171 = arith.constant 1.11111116 : f32
        %parallel_loop3A_172 = vector.broadcast %parallel_loop3A_171 : f32 to vector<16xf32>
        %parallel_loop3A_173 = arith.mulf %parallel_loop3A_170, %parallel_loop3A_172 : vector<16xf32>
        %parallel_loop3A_174 = arith.constant 3.000000e+00 : f32
        %parallel_loop3A_175 = vector.broadcast %parallel_loop3A_174 : f32 to vector<16xf32>
        %parallel_loop3A_176 = arith.addf %parallel_loop3A_173, %parallel_loop3A_175 : vector<16xf32>
        %parallel_loop3A_177 = arith.constant 0.000000e+00 : f32
        %parallel_loop3A_178 = arith.constant 5.99999952 : f32
        %parallel_loop3A_179 = vector.broadcast %parallel_loop3A_177 : f32 to vector<16xf32>
        %parallel_loop3A_180 = arith.maximumf %parallel_loop3A_179, %parallel_loop3A_176 : vector<16xf32>
        %parallel_loop3A_181 = vector.broadcast %parallel_loop3A_178 : f32 to vector<16xf32>
        %parallel_loop3A_182 = arith.minimumf %parallel_loop3A_181, %parallel_loop3A_180 : vector<16xf32>
        %parallel_loop3A_183 = arith.fptosi %parallel_loop3A_182 : vector<16xf32> to vector<16xi32>
        %parallel_loop3A_184 = arith.constant 0 : i32
        %parallel_loop3A_185 = vector.broadcast %parallel_loop3A_184 : i32 to vector<16xi32>
        %parallel_loop3A_186 = arith.cmpi slt, %parallel_loop3A_183, %parallel_loop3A_185 : vector<16xi32>
        %parallel_loop3A_187 = arith.constant 16 : i32
        %parallel_loop3A_188 = vector.broadcast %parallel_loop3A_187 : i32 to vector<16xi32>
        %parallel_loop3A_189 = arith.addi %parallel_loop3A_183, %parallel_loop3A_188 : vector<16xi32>
        %parallel_loop3A_190 = arith.select %parallel_loop3A_186, %parallel_loop3A_189, %parallel_loop3A_183 : vector<16xi1>, vector<16xi32>
        %parallel_loop3A_191 = vector.shape_cast %parallel_loop3A_190 : vector<16xi32> to vector<16x1xi32>
        %parallel_loop3A_192 = vector.shape_cast %parallel_loop3A_191 : vector<16x1xi32> to vector<16xi32>
        %parallel_loop3A_193 = tpu.dynamic_gather %sub3A_65[%parallel_loop3A_192] in [0] : vector<16xf32>, vector<16xi32> -> vector<16xf32>
        %parallel_loop3A_194 = arith.constant 0 : i32
        %parallel_loop3A_195 = vector.broadcast %parallel_loop3A_194 : i32 to vector<16xi32>
        %parallel_loop3A_196 = arith.cmpi slt, %parallel_loop3A_183, %parallel_loop3A_195 : vector<16xi32>
        %parallel_loop3A_197 = arith.constant 16 : i32
        %parallel_loop3A_198 = vector.broadcast %parallel_loop3A_197 : i32 to vector<16xi32>
        %parallel_loop3A_199 = arith.addi %parallel_loop3A_183, %parallel_loop3A_198 : vector<16xi32>
        %parallel_loop3A_200 = arith.select %parallel_loop3A_196, %parallel_loop3A_199, %parallel_loop3A_183 : vector<16xi1>, vector<16xi32>
        %parallel_loop3A_201 = vector.shape_cast %parallel_loop3A_200 : vector<16xi32> to vector<16x1xi32>
        %parallel_loop3A_202 = vector.shape_cast %parallel_loop3A_201 : vector<16x1xi32> to vector<16xi32>
        %parallel_loop3A_203 = tpu.dynamic_gather %sub3A[%parallel_loop3A_202] in [0] : vector<16xf32>, vector<16xi32> -> vector<16xf32>
        %parallel_loop3A_204 = arith.mulf %parallel_loop3A_176, %parallel_loop3A_203 : vector<16xf32>
        %parallel_loop3A_205 = arith.addf %parallel_loop3A_193, %parallel_loop3A_204 : vector<16xf32>
        %parallel_loop3A_206 = arith.index_cast %parallel_loop3A_167 : i32 to index
        %parallel_loop3A_207 = tpu.vector_load %arg10[%parallel_loop3A_206] {strides = array<i32>} : memref<12544xf32, #tpu.memory_space<vmem>>, vector<16xf32>,
        %parallel_loop3A_208 = vector.shape_cast %parallel_loop3A_207 : vector<16xf32> to vector<16xf32>
        %parallel_loop3A_209 = vector.shape_cast %parallel_loop3A_205 : vector<16xf32> to vector<16xf32>
        tpu.vector_store %arg10[%parallel_loop3A_206], %parallel_loop3A_209 {strides = array<i32>} : memref<12544xf32, #tpu.memory_space<vmem>>, vector<16xf32>,
      } {sc.loop_unroll_factor = 16 : i64, sc.parallel_access}
      %add3A_79 = arith.addi %mul3A_2, %add3A_69 : i32
      %mul3A_80 = arith.constant 12544 : i32
      %mul3A_81 = arith.muli %add3A_79, %mul3A_80 : i32
      %dma_start3A_82 = tpu.memref_slice %arg4[%mul3A_81] : memref<38535168xf32, #tpu.memory_space<hbm>> -> memref<12544xf32, #tpu.memory_space<hbm>>
      %dma_start3A_83 = tpu.memref_slice %arg4[%mul3A_81] : memref<38535168xf32, #tpu.memory_space<hbm>> -> memref<12544xf32, #tpu.memory_space<hbm>>
      tpu.enqueue_dma source(%arg10 : memref<12544xf32, #tpu.memory_space<vmem>>) target(%dma_start3A_83 : memref<12544xf32, #tpu.memory_space<hbm>>) target_semaphore(%arg18 : memref<!tpu.dma_semaphore, #tpu.memory_space<semaphore_mem>>)
      %lt3A_84 = arith.constant 92 : i32
      %lt3A_85 = arith.cmpi slt, %add3A_69, %lt3A_84 : i32
      %convert_element_type3A_86 = arith.extui %lt3A_85 : i1 to i32
      %cond3A_87 = arith.constant 0 : i32
      %cond3A_88 = arith.cmpi ne, %convert_element_type3A_86, %cond3A_87 : i32
      scf.if %cond3A_88 {
        %add3A_167 = arith.constant 4 : i32
        %add3A_168 = arith.addi %add3A_69, %add3A_167 : i32
        %add3A_169 = arith.addi %mul3A_2, %add3A_168 : i32
        %mul3A_170 = arith.constant 12544 : i32
        %mul3A_171 = arith.muli %add3A_169, %mul3A_170 : i32
        %dma_start3A_172 = tpu.memref_slice %arg2[%mul3A_171] : memref<38535168xf32, #tpu.memory_space<hbm>> -> memref<12544xf32, #tpu.memory_space<hbm>>
        %dma_start3A_173 = tpu.memref_slice %arg2[%mul3A_171] : memref<38535168xf32, #tpu.memory_space<hbm>> -> memref<12544xf32, #tpu.memory_space<hbm>>
        tpu.enqueue_dma source(%dma_start3A_173 : memref<12544xf32, #tpu.memory_space<hbm>>) target(%arg6 : memref<12544xf32, #tpu.memory_space<vmem>>) target_semaphore(%arg14 : memref<!tpu.dma_semaphore, #tpu.memory_space<semaphore_mem>>)
      } else {
      }
      %mul3A_89 = arith.constant 4 : i32
      %mul3A_90 = arith.muli %scan3A_51, %mul3A_89 : i32
      %add3A_91 = arith.constant 1 : i32
      %add3A_92 = arith.addi %mul3A_90, %add3A_91 : i32
      %dma_wait3A_93 = arith.constant 0 : i32
      %dma_wait3A_94 = tpu.memref_slice %arg2[%dma_wait3A_93] : memref<38535168xf32, #tpu.memory_space<hbm>> -> memref<12544xf32, #tpu.memory_space<hbm>>
      %dma_wait3A_95 = arith.constant 0 : i32
      %dma_wait3A_96 = tpu.memref_slice %arg2[%dma_wait3A_95] : memref<38535168xf32, #tpu.memory_space<hbm>> -> memref<12544xf32, #tpu.memory_space<hbm>>
      tpu.wait_dma2 semaphore(%arg15 : memref<!tpu.dma_semaphore, #tpu.memory_space<semaphore_mem>>) src(%dma_wait3A_96 : memref<12544xf32, #tpu.memory_space<hbm>>) dst(%arg7 : memref<12544xf32, #tpu.memory_space<vmem>>)
      %ge3A_97 = arith.constant 4 : i32
      %ge3A_98 = arith.cmpi sge, %add3A_92, %ge3A_97 : i32
      %convert_element_type3A_99 = arith.extui %ge3A_98 : i1 to i32
      %cond3A_100 = arith.constant 0 : i32
      %cond3A_101 = arith.cmpi ne, %convert_element_type3A_99, %cond3A_100 : i32
      scf.if %cond3A_101 {
        %dma_wait3A_167 = arith.constant 0 : i32
        %dma_wait3A_168 = tpu.memref_slice %arg4[%dma_wait3A_167] : memref<38535168xf32, #tpu.memory_space<hbm>> -> memref<12544xf32, #tpu.memory_space<hbm>>
        %dma_wait3A_169 = arith.constant 0 : i32
        %dma_wait3A_170 = tpu.memref_slice %arg4[%dma_wait3A_169] : memref<38535168xf32, #tpu.memory_space<hbm>> -> memref<12544xf32, #tpu.memory_space<hbm>>
        tpu.wait_dma2 semaphore(%arg19 : memref<!tpu.dma_semaphore, #tpu.memory_space<semaphore_mem>>) src(%arg11 : memref<12544xf32, #tpu.memory_space<vmem>>) dst(%dma_wait3A_170 : memref<12544xf32, #tpu.memory_space<hbm>>)
      } else {
      }
      %parallel_loop3A_102 = arith.constant 0 : i32
      %parallel_loop3A_103 = arith.constant 12544 : i32
      %parallel_loop3A_104 = arith.constant 16 : i32
      scf.for %parallel_loop3A_167 = %parallel_loop3A_102 to %parallel_loop3A_103 step %parallel_loop3A_104  : i32 {
        %parallel_loop3A_168 = arith.index_cast %parallel_loop3A_167 : i32 to index
        %parallel_loop3A_169 = tpu.vector_load %arg7[%parallel_loop3A_168] {strides = array<i32>} : memref<12544xf32, #tpu.memory_space<vmem>>, vector<16xf32>,
        %parallel_loop3A_170 = vector.shape_cast %parallel_loop3A_169 : vector<16xf32> to vector<16xf32>
        %parallel_loop3A_171 = arith.constant 1.11111116 : f32
        %parallel_loop3A_172 = vector.broadcast %parallel_loop3A_171 : f32 to vector<16xf32>
        %parallel_loop3A_173 = arith.mulf %parallel_loop3A_170, %parallel_loop3A_172 : vector<16xf32>
        %parallel_loop3A_174 = arith.constant 3.000000e+00 : f32
        %parallel_loop3A_175 = vector.broadcast %parallel_loop3A_174 : f32 to vector<16xf32>
        %parallel_loop3A_176 = arith.addf %parallel_loop3A_173, %parallel_loop3A_175 : vector<16xf32>
        %parallel_loop3A_177 = arith.constant 0.000000e+00 : f32
        %parallel_loop3A_178 = arith.constant 5.99999952 : f32
        %parallel_loop3A_179 = vector.broadcast %parallel_loop3A_177 : f32 to vector<16xf32>
        %parallel_loop3A_180 = arith.maximumf %parallel_loop3A_179, %parallel_loop3A_176 : vector<16xf32>
        %parallel_loop3A_181 = vector.broadcast %parallel_loop3A_178 : f32 to vector<16xf32>
        %parallel_loop3A_182 = arith.minimumf %parallel_loop3A_181, %parallel_loop3A_180 : vector<16xf32>
        %parallel_loop3A_183 = arith.fptosi %parallel_loop3A_182 : vector<16xf32> to vector<16xi32>
        %parallel_loop3A_184 = arith.constant 0 : i32
        %parallel_loop3A_185 = vector.broadcast %parallel_loop3A_184 : i32 to vector<16xi32>
        %parallel_loop3A_186 = arith.cmpi slt, %parallel_loop3A_183, %parallel_loop3A_185 : vector<16xi32>
        %parallel_loop3A_187 = arith.constant 16 : i32
        %parallel_loop3A_188 = vector.broadcast %parallel_loop3A_187 : i32 to vector<16xi32>
        %parallel_loop3A_189 = arith.addi %parallel_loop3A_183, %parallel_loop3A_188 : vector<16xi32>
        %parallel_loop3A_190 = arith.select %parallel_loop3A_186, %parallel_loop3A_189, %parallel_loop3A_183 : vector<16xi1>, vector<16xi32>
        %parallel_loop3A_191 = vector.shape_cast %parallel_loop3A_190 : vector<16xi32> to vector<16x1xi32>
        %parallel_loop3A_192 = vector.shape_cast %parallel_loop3A_191 : vector<16x1xi32> to vector<16xi32>
        %parallel_loop3A_193 = tpu.dynamic_gather %sub3A_65[%parallel_loop3A_192] in [0] : vector<16xf32>, vector<16xi32> -> vector<16xf32>
        %parallel_loop3A_194 = arith.constant 0 : i32
        %parallel_loop3A_195 = vector.broadcast %parallel_loop3A_194 : i32 to vector<16xi32>
        %parallel_loop3A_196 = arith.cmpi slt, %parallel_loop3A_183, %parallel_loop3A_195 : vector<16xi32>
        %parallel_loop3A_197 = arith.constant 16 : i32
        %parallel_loop3A_198 = vector.broadcast %parallel_loop3A_197 : i32 to vector<16xi32>
        %parallel_loop3A_199 = arith.addi %parallel_loop3A_183, %parallel_loop3A_198 : vector<16xi32>
        %parallel_loop3A_200 = arith.select %parallel_loop3A_196, %parallel_loop3A_199, %parallel_loop3A_183 : vector<16xi1>, vector<16xi32>
        %parallel_loop3A_201 = vector.shape_cast %parallel_loop3A_200 : vector<16xi32> to vector<16x1xi32>
        %parallel_loop3A_202 = vector.shape_cast %parallel_loop3A_201 : vector<16x1xi32> to vector<16xi32>
        %parallel_loop3A_203 = tpu.dynamic_gather %sub3A[%parallel_loop3A_202] in [0] : vector<16xf32>, vector<16xi32> -> vector<16xf32>
        %parallel_loop3A_204 = arith.mulf %parallel_loop3A_176, %parallel_loop3A_203 : vector<16xf32>
        %parallel_loop3A_205 = arith.addf %parallel_loop3A_193, %parallel_loop3A_204 : vector<16xf32>
        %parallel_loop3A_206 = arith.index_cast %parallel_loop3A_167 : i32 to index
        %parallel_loop3A_207 = tpu.vector_load %arg11[%parallel_loop3A_206] {strides = array<i32>} : memref<12544xf32, #tpu.memory_space<vmem>>, vector<16xf32>,
        %parallel_loop3A_208 = vector.shape_cast %parallel_loop3A_207 : vector<16xf32> to vector<16xf32>
        %parallel_loop3A_209 = vector.shape_cast %parallel_loop3A_205 : vector<16xf32> to vector<16xf32>
        tpu.vector_store %arg11[%parallel_loop3A_206], %parallel_loop3A_209 {strides = array<i32>} : memref<12544xf32, #tpu.memory_space<vmem>>, vector<16xf32>,
      } {sc.loop_unroll_factor = 16 : i64, sc.parallel_access}
      %add3A_105 = arith.addi %mul3A_2, %add3A_92 : i32
      %mul3A_106 = arith.constant 12544 : i32
      %mul3A_107 = arith.muli %add3A_105, %mul3A_106 : i32
      %dma_start3A_108 = tpu.memref_slice %arg4[%mul3A_107] : memref<38535168xf32, #tpu.memory_space<hbm>> -> memref<12544xf32, #tpu.memory_space<hbm>>
      %dma_start3A_109 = tpu.memref_slice %arg4[%mul3A_107] : memref<38535168xf32, #tpu.memory_space<hbm>> -> memref<12544xf32, #tpu.memory_space<hbm>>
      tpu.enqueue_dma source(%arg11 : memref<12544xf32, #tpu.memory_space<vmem>>) target(%dma_start3A_109 : memref<12544xf32, #tpu.memory_space<hbm>>) target_semaphore(%arg19 : memref<!tpu.dma_semaphore, #tpu.memory_space<semaphore_mem>>)
      %lt3A_110 = arith.constant 92 : i32
      %lt3A_111 = arith.cmpi slt, %add3A_92, %lt3A_110 : i32
      %convert_element_type3A_112 = arith.extui %lt3A_111 : i1 to i32
      %cond3A_113 = arith.constant 0 : i32
      %cond3A_114 = arith.cmpi ne, %convert_element_type3A_112, %cond3A_113 : i32
      scf.if %cond3A_114 {
        %add3A_167 = arith.constant 4 : i32
        %add3A_168 = arith.addi %add3A_92, %add3A_167 : i32
        %add3A_169 = arith.addi %mul3A_2, %add3A_168 : i32
        %mul3A_170 = arith.constant 12544 : i32
        %mul3A_171 = arith.muli %add3A_169, %mul3A_170 : i32
        %dma_start3A_172 = tpu.memref_slice %arg2[%mul3A_171] : memref<38535168xf32, #tpu.memory_space<hbm>> -> memref<12544xf32, #tpu.memory_space<hbm>>
        %dma_start3A_173 = tpu.memref_slice %arg2[%mul3A_171] : memref<38535168xf32, #tpu.memory_space<hbm>> -> memref<12544xf32, #tpu.memory_space<hbm>>
        tpu.enqueue_dma source(%dma_start3A_173 : memref<12544xf32, #tpu.memory_space<hbm>>) target(%arg7 : memref<12544xf32, #tpu.memory_space<vmem>>) target_semaphore(%arg15 : memref<!tpu.dma_semaphore, #tpu.memory_space<semaphore_mem>>)
      } else {
      }
      %mul3A_115 = arith.constant 4 : i32
      %mul3A_116 = arith.muli %scan3A_51, %mul3A_115 : i32
      %add3A_117 = arith.constant 2 : i32
      %add3A_118 = arith.addi %mul3A_116, %add3A_117 : i32
      %dma_wait3A_119 = arith.constant 0 : i32
      %dma_wait3A_120 = tpu.memref_slice %arg2[%dma_wait3A_119] : memref<38535168xf32, #tpu.memory_space<hbm>> -> memref<12544xf32, #tpu.memory_space<hbm>>
      %dma_wait3A_121 = arith.constant 0 : i32
      %dma_wait3A_122 = tpu.memref_slice %arg2[%dma_wait3A_121] : memref<38535168xf32, #tpu.memory_space<hbm>> -> memref<12544xf32, #tpu.memory_space<hbm>>
      tpu.wait_dma2 semaphore(%arg16 : memref<!tpu.dma_semaphore, #tpu.memory_space<semaphore_mem>>) src(%dma_wait3A_122 : memref<12544xf32, #tpu.memory_space<hbm>>) dst(%arg8 : memref<12544xf32, #tpu.memory_space<vmem>>)
      %ge3A_123 = arith.constant 4 : i32
      %ge3A_124 = arith.cmpi sge, %add3A_118, %ge3A_123 : i32
      %convert_element_type3A_125 = arith.extui %ge3A_124 : i1 to i32
      %cond3A_126 = arith.constant 0 : i32
      %cond3A_127 = arith.cmpi ne, %convert_element_type3A_125, %cond3A_126 : i32
      scf.if %cond3A_127 {
        %dma_wait3A_167 = arith.constant 0 : i32
        %dma_wait3A_168 = tpu.memref_slice %arg4[%dma_wait3A_167] : memref<38535168xf32, #tpu.memory_space<hbm>> -> memref<12544xf32, #tpu.memory_space<hbm>>
        %dma_wait3A_169 = arith.constant 0 : i32
        %dma_wait3A_170 = tpu.memref_slice %arg4[%dma_wait3A_169] : memref<38535168xf32, #tpu.memory_space<hbm>> -> memref<12544xf32, #tpu.memory_space<hbm>>
        tpu.wait_dma2 semaphore(%arg20 : memref<!tpu.dma_semaphore, #tpu.memory_space<semaphore_mem>>) src(%arg12 : memref<12544xf32, #tpu.memory_space<vmem>>) dst(%dma_wait3A_170 : memref<12544xf32, #tpu.memory_space<hbm>>)
      } else {
      }
      %parallel_loop3A_128 = arith.constant 0 : i32
      %parallel_loop3A_129 = arith.constant 12544 : i32
      %parallel_loop3A_130 = arith.constant 16 : i32
      scf.for %parallel_loop3A_167 = %parallel_loop3A_128 to %parallel_loop3A_129 step %parallel_loop3A_130  : i32 {
        %parallel_loop3A_168 = arith.index_cast %parallel_loop3A_167 : i32 to index
        %parallel_loop3A_169 = tpu.vector_load %arg8[%parallel_loop3A_168] {strides = array<i32>} : memref<12544xf32, #tpu.memory_space<vmem>>, vector<16xf32>,
        %parallel_loop3A_170 = vector.shape_cast %parallel_loop3A_169 : vector<16xf32> to vector<16xf32>
        %parallel_loop3A_171 = arith.constant 1.11111116 : f32
        %parallel_loop3A_172 = vector.broadcast %parallel_loop3A_171 : f32 to vector<16xf32>
        %parallel_loop3A_173 = arith.mulf %parallel_loop3A_170, %parallel_loop3A_172 : vector<16xf32>
        %parallel_loop3A_174 = arith.constant 3.000000e+00 : f32
        %parallel_loop3A_175 = vector.broadcast %parallel_loop3A_174 : f32 to vector<16xf32>
        %parallel_loop3A_176 = arith.addf %parallel_loop3A_173, %parallel_loop3A_175 : vector<16xf32>
        %parallel_loop3A_177 = arith.constant 0.000000e+00 : f32
        %parallel_loop3A_178 = arith.constant 5.99999952 : f32
        %parallel_loop3A_179 = vector.broadcast %parallel_loop3A_177 : f32 to vector<16xf32>
        %parallel_loop3A_180 = arith.maximumf %parallel_loop3A_179, %parallel_loop3A_176 : vector<16xf32>
        %parallel_loop3A_181 = vector.broadcast %parallel_loop3A_178 : f32 to vector<16xf32>
        %parallel_loop3A_182 = arith.minimumf %parallel_loop3A_181, %parallel_loop3A_180 : vector<16xf32>
        %parallel_loop3A_183 = arith.fptosi %parallel_loop3A_182 : vector<16xf32> to vector<16xi32>
        %parallel_loop3A_184 = arith.constant 0 : i32
        %parallel_loop3A_185 = vector.broadcast %parallel_loop3A_184 : i32 to vector<16xi32>
        %parallel_loop3A_186 = arith.cmpi slt, %parallel_loop3A_183, %parallel_loop3A_185 : vector<16xi32>
        %parallel_loop3A_187 = arith.constant 16 : i32
        %parallel_loop3A_188 = vector.broadcast %parallel_loop3A_187 : i32 to vector<16xi32>
        %parallel_loop3A_189 = arith.addi %parallel_loop3A_183, %parallel_loop3A_188 : vector<16xi32>
        %parallel_loop3A_190 = arith.select %parallel_loop3A_186, %parallel_loop3A_189, %parallel_loop3A_183 : vector<16xi1>, vector<16xi32>
        %parallel_loop3A_191 = vector.shape_cast %parallel_loop3A_190 : vector<16xi32> to vector<16x1xi32>
        %parallel_loop3A_192 = vector.shape_cast %parallel_loop3A_191 : vector<16x1xi32> to vector<16xi32>
        %parallel_loop3A_193 = tpu.dynamic_gather %sub3A_65[%parallel_loop3A_192] in [0] : vector<16xf32>, vector<16xi32> -> vector<16xf32>
        %parallel_loop3A_194 = arith.constant 0 : i32
        %parallel_loop3A_195 = vector.broadcast %parallel_loop3A_194 : i32 to vector<16xi32>
        %parallel_loop3A_196 = arith.cmpi slt, %parallel_loop3A_183, %parallel_loop3A_195 : vector<16xi32>
        %parallel_loop3A_197 = arith.constant 16 : i32
        %parallel_loop3A_198 = vector.broadcast %parallel_loop3A_197 : i32 to vector<16xi32>
        %parallel_loop3A_199 = arith.addi %parallel_loop3A_183, %parallel_loop3A_198 : vector<16xi32>
        %parallel_loop3A_200 = arith.select %parallel_loop3A_196, %parallel_loop3A_199, %parallel_loop3A_183 : vector<16xi1>, vector<16xi32>
        %parallel_loop3A_201 = vector.shape_cast %parallel_loop3A_200 : vector<16xi32> to vector<16x1xi32>
        %parallel_loop3A_202 = vector.shape_cast %parallel_loop3A_201 : vector<16x1xi32> to vector<16xi32>
        %parallel_loop3A_203 = tpu.dynamic_gather %sub3A[%parallel_loop3A_202] in [0] : vector<16xf32>, vector<16xi32> -> vector<16xf32>
        %parallel_loop3A_204 = arith.mulf %parallel_loop3A_176, %parallel_loop3A_203 : vector<16xf32>
        %parallel_loop3A_205 = arith.addf %parallel_loop3A_193, %parallel_loop3A_204 : vector<16xf32>
        %parallel_loop3A_206 = arith.index_cast %parallel_loop3A_167 : i32 to index
        %parallel_loop3A_207 = tpu.vector_load %arg12[%parallel_loop3A_206] {strides = array<i32>} : memref<12544xf32, #tpu.memory_space<vmem>>, vector<16xf32>,
        %parallel_loop3A_208 = vector.shape_cast %parallel_loop3A_207 : vector<16xf32> to vector<16xf32>
        %parallel_loop3A_209 = vector.shape_cast %parallel_loop3A_205 : vector<16xf32> to vector<16xf32>
        tpu.vector_store %arg12[%parallel_loop3A_206], %parallel_loop3A_209 {strides = array<i32>} : memref<12544xf32, #tpu.memory_space<vmem>>, vector<16xf32>,
      } {sc.loop_unroll_factor = 16 : i64, sc.parallel_access}
      %add3A_131 = arith.addi %mul3A_2, %add3A_118 : i32
      %mul3A_132 = arith.constant 12544 : i32
      %mul3A_133 = arith.muli %add3A_131, %mul3A_132 : i32
      %dma_start3A_134 = tpu.memref_slice %arg4[%mul3A_133] : memref<38535168xf32, #tpu.memory_space<hbm>> -> memref<12544xf32, #tpu.memory_space<hbm>>
      %dma_start3A_135 = tpu.memref_slice %arg4[%mul3A_133] : memref<38535168xf32, #tpu.memory_space<hbm>> -> memref<12544xf32, #tpu.memory_space<hbm>>
      tpu.enqueue_dma source(%arg12 : memref<12544xf32, #tpu.memory_space<vmem>>) target(%dma_start3A_135 : memref<12544xf32, #tpu.memory_space<hbm>>) target_semaphore(%arg20 : memref<!tpu.dma_semaphore, #tpu.memory_space<semaphore_mem>>)
      %lt3A_136 = arith.constant 92 : i32
      %lt3A_137 = arith.cmpi slt, %add3A_118, %lt3A_136 : i32
      %convert_element_type3A_138 = arith.extui %lt3A_137 : i1 to i32
      %cond3A_139 = arith.constant 0 : i32
      %cond3A_140 = arith.cmpi ne, %convert_element_type3A_138, %cond3A_139 : i32
      scf.if %cond3A_140 {
        %add3A_167 = arith.constant 4 : i32
        %add3A_168 = arith.addi %add3A_118, %add3A_167 : i32
        %add3A_169 = arith.addi %mul3A_2, %add3A_168 : i32
        %mul3A_170 = arith.constant 12544 : i32
        %mul3A_171 = arith.muli %add3A_169, %mul3A_170 : i32
        %dma_start3A_172 = tpu.memref_slice %arg2[%mul3A_171] : memref<38535168xf32, #tpu.memory_space<hbm>> -> memref<12544xf32, #tpu.memory_space<hbm>>
        %dma_start3A_173 = tpu.memref_slice %arg2[%mul3A_171] : memref<38535168xf32, #tpu.memory_space<hbm>> -> memref<12544xf32, #tpu.memory_space<hbm>>
        tpu.enqueue_dma source(%dma_start3A_173 : memref<12544xf32, #tpu.memory_space<hbm>>) target(%arg8 : memref<12544xf32, #tpu.memory_space<vmem>>) target_semaphore(%arg16 : memref<!tpu.dma_semaphore, #tpu.memory_space<semaphore_mem>>)
      } else {
      }
      %mul3A_141 = arith.constant 4 : i32
      %mul3A_142 = arith.muli %scan3A_51, %mul3A_141 : i32
      %add3A_143 = arith.constant 3 : i32
      %add3A_144 = arith.addi %mul3A_142, %add3A_143 : i32
      %dma_wait3A_145 = arith.constant 0 : i32
      %dma_wait3A_146 = tpu.memref_slice %arg2[%dma_wait3A_145] : memref<38535168xf32, #tpu.memory_space<hbm>> -> memref<12544xf32, #tpu.memory_space<hbm>>
      %dma_wait3A_147 = arith.constant 0 : i32
      %dma_wait3A_148 = tpu.memref_slice %arg2[%dma_wait3A_147] : memref<38535168xf32, #tpu.memory_space<hbm>> -> memref<12544xf32, #tpu.memory_space<hbm>>
      tpu.wait_dma2 semaphore(%arg17 : memref<!tpu.dma_semaphore, #tpu.memory_space<semaphore_mem>>) src(%dma_wait3A_148 : memref<12544xf32, #tpu.memory_space<hbm>>) dst(%arg9 : memref<12544xf32, #tpu.memory_space<vmem>>)
      %ge3A_149 = arith.constant 4 : i32
      %ge3A_150 = arith.cmpi sge, %add3A_144, %ge3A_149 : i32
      %convert_element_type3A_151 = arith.extui %ge3A_150 : i1 to i32
      %cond3A_152 = arith.constant 0 : i32
      %cond3A_153 = arith.cmpi ne, %convert_element_type3A_151, %cond3A_152 : i32
      scf.if %cond3A_153 {
        %dma_wait3A_167 = arith.constant 0 : i32
        %dma_wait3A_168 = tpu.memref_slice %arg4[%dma_wait3A_167] : memref<38535168xf32, #tpu.memory_space<hbm>> -> memref<12544xf32, #tpu.memory_space<hbm>>
        %dma_wait3A_169 = arith.constant 0 : i32
        %dma_wait3A_170 = tpu.memref_slice %arg4[%dma_wait3A_169] : memref<38535168xf32, #tpu.memory_space<hbm>> -> memref<12544xf32, #tpu.memory_space<hbm>>
        tpu.wait_dma2 semaphore(%arg21 : memref<!tpu.dma_semaphore, #tpu.memory_space<semaphore_mem>>) src(%arg13 : memref<12544xf32, #tpu.memory_space<vmem>>) dst(%dma_wait3A_170 : memref<12544xf32, #tpu.memory_space<hbm>>)
      } else {
      }
      %parallel_loop3A_154 = arith.constant 0 : i32
      %parallel_loop3A_155 = arith.constant 12544 : i32
      %parallel_loop3A_156 = arith.constant 16 : i32
      scf.for %parallel_loop3A_167 = %parallel_loop3A_154 to %parallel_loop3A_155 step %parallel_loop3A_156  : i32 {
        %parallel_loop3A_168 = arith.index_cast %parallel_loop3A_167 : i32 to index
        %parallel_loop3A_169 = tpu.vector_load %arg9[%parallel_loop3A_168] {strides = array<i32>} : memref<12544xf32, #tpu.memory_space<vmem>>, vector<16xf32>,
        %parallel_loop3A_170 = vector.shape_cast %parallel_loop3A_169 : vector<16xf32> to vector<16xf32>
        %parallel_loop3A_171 = arith.constant 1.11111116 : f32
        %parallel_loop3A_172 = vector.broadcast %parallel_loop3A_171 : f32 to vector<16xf32>
        %parallel_loop3A_173 = arith.mulf %parallel_loop3A_170, %parallel_loop3A_172 : vector<16xf32>
        %parallel_loop3A_174 = arith.constant 3.000000e+00 : f32
        %parallel_loop3A_175 = vector.broadcast %parallel_loop3A_174 : f32 to vector<16xf32>
        %parallel_loop3A_176 = arith.addf %parallel_loop3A_173, %parallel_loop3A_175 : vector<16xf32>
        %parallel_loop3A_177 = arith.constant 0.000000e+00 : f32
        %parallel_loop3A_178 = arith.constant 5.99999952 : f32
        %parallel_loop3A_179 = vector.broadcast %parallel_loop3A_177 : f32 to vector<16xf32>
        %parallel_loop3A_180 = arith.maximumf %parallel_loop3A_179, %parallel_loop3A_176 : vector<16xf32>
        %parallel_loop3A_181 = vector.broadcast %parallel_loop3A_178 : f32 to vector<16xf32>
        %parallel_loop3A_182 = arith.minimumf %parallel_loop3A_181, %parallel_loop3A_180 : vector<16xf32>
        %parallel_loop3A_183 = arith.fptosi %parallel_loop3A_182 : vector<16xf32> to vector<16xi32>
        %parallel_loop3A_184 = arith.constant 0 : i32
        %parallel_loop3A_185 = vector.broadcast %parallel_loop3A_184 : i32 to vector<16xi32>
        %parallel_loop3A_186 = arith.cmpi slt, %parallel_loop3A_183, %parallel_loop3A_185 : vector<16xi32>
        %parallel_loop3A_187 = arith.constant 16 : i32
        %parallel_loop3A_188 = vector.broadcast %parallel_loop3A_187 : i32 to vector<16xi32>
        %parallel_loop3A_189 = arith.addi %parallel_loop3A_183, %parallel_loop3A_188 : vector<16xi32>
        %parallel_loop3A_190 = arith.select %parallel_loop3A_186, %parallel_loop3A_189, %parallel_loop3A_183 : vector<16xi1>, vector<16xi32>
        %parallel_loop3A_191 = vector.shape_cast %parallel_loop3A_190 : vector<16xi32> to vector<16x1xi32>
        %parallel_loop3A_192 = vector.shape_cast %parallel_loop3A_191 : vector<16x1xi32> to vector<16xi32>
        %parallel_loop3A_193 = tpu.dynamic_gather %sub3A_65[%parallel_loop3A_192] in [0] : vector<16xf32>, vector<16xi32> -> vector<16xf32>
        %parallel_loop3A_194 = arith.constant 0 : i32
        %parallel_loop3A_195 = vector.broadcast %parallel_loop3A_194 : i32 to vector<16xi32>
        %parallel_loop3A_196 = arith.cmpi slt, %parallel_loop3A_183, %parallel_loop3A_195 : vector<16xi32>
        %parallel_loop3A_197 = arith.constant 16 : i32
        %parallel_loop3A_198 = vector.broadcast %parallel_loop3A_197 : i32 to vector<16xi32>
        %parallel_loop3A_199 = arith.addi %parallel_loop3A_183, %parallel_loop3A_198 : vector<16xi32>
        %parallel_loop3A_200 = arith.select %parallel_loop3A_196, %parallel_loop3A_199, %parallel_loop3A_183 : vector<16xi1>, vector<16xi32>
        %parallel_loop3A_201 = vector.shape_cast %parallel_loop3A_200 : vector<16xi32> to vector<16x1xi32>
        %parallel_loop3A_202 = vector.shape_cast %parallel_loop3A_201 : vector<16x1xi32> to vector<16xi32>
        %parallel_loop3A_203 = tpu.dynamic_gather %sub3A[%parallel_loop3A_202] in [0] : vector<16xf32>, vector<16xi32> -> vector<16xf32>
        %parallel_loop3A_204 = arith.mulf %parallel_loop3A_176, %parallel_loop3A_203 : vector<16xf32>
        %parallel_loop3A_205 = arith.addf %parallel_loop3A_193, %parallel_loop3A_204 : vector<16xf32>
        %parallel_loop3A_206 = arith.index_cast %parallel_loop3A_167 : i32 to index
        %parallel_loop3A_207 = tpu.vector_load %arg13[%parallel_loop3A_206] {strides = array<i32>} : memref<12544xf32, #tpu.memory_space<vmem>>, vector<16xf32>,
        %parallel_loop3A_208 = vector.shape_cast %parallel_loop3A_207 : vector<16xf32> to vector<16xf32>
        %parallel_loop3A_209 = vector.shape_cast %parallel_loop3A_205 : vector<16xf32> to vector<16xf32>
        tpu.vector_store %arg13[%parallel_loop3A_206], %parallel_loop3A_209 {strides = array<i32>} : memref<12544xf32, #tpu.memory_space<vmem>>, vector<16xf32>,
      } {sc.loop_unroll_factor = 16 : i64, sc.parallel_access}
      %add3A_157 = arith.addi %mul3A_2, %add3A_144 : i32
      %mul3A_158 = arith.constant 12544 : i32
      %mul3A_159 = arith.muli %add3A_157, %mul3A_158 : i32
      %dma_start3A_160 = tpu.memref_slice %arg4[%mul3A_159] : memref<38535168xf32, #tpu.memory_space<hbm>> -> memref<12544xf32, #tpu.memory_space<hbm>>
      %dma_start3A_161 = tpu.memref_slice %arg4[%mul3A_159] : memref<38535168xf32, #tpu.memory_space<hbm>> -> memref<12544xf32, #tpu.memory_space<hbm>>
      tpu.enqueue_dma source(%arg13 : memref<12544xf32, #tpu.memory_space<vmem>>) target(%dma_start3A_161 : memref<12544xf32, #tpu.memory_space<hbm>>) target_semaphore(%arg21 : memref<!tpu.dma_semaphore, #tpu.memory_space<semaphore_mem>>)
      %lt3A_162 = arith.constant 92 : i32
      %lt3A_163 = arith.cmpi slt, %add3A_144, %lt3A_162 : i32
      %convert_element_type3A_164 = arith.extui %lt3A_163 : i1 to i32
      %cond3A_165 = arith.constant 0 : i32
      %cond3A_166 = arith.cmpi ne, %convert_element_type3A_164, %cond3A_165 : i32
      scf.if %cond3A_166 {
        %add3A_167 = arith.constant 4 : i32
        %add3A_168 = arith.addi %add3A_144, %add3A_167 : i32
        %add3A_169 = arith.addi %mul3A_2, %add3A_168 : i32
        %mul3A_170 = arith.constant 12544 : i32
        %mul3A_171 = arith.muli %add3A_169, %mul3A_170 : i32
        %dma_start3A_172 = tpu.memref_slice %arg2[%mul3A_171] : memref<38535168xf32, #tpu.memory_space<hbm>> -> memref<12544xf32, #tpu.memory_space<hbm>>
        %dma_start3A_173 = tpu.memref_slice %arg2[%mul3A_171] : memref<38535168xf32, #tpu.memory_space<hbm>> -> memref<12544xf32, #tpu.memory_space<hbm>>
        tpu.enqueue_dma source(%dma_start3A_173 : memref<12544xf32, #tpu.memory_space<hbm>>) target(%arg9 : memref<12544xf32, #tpu.memory_space<vmem>>) target_semaphore(%arg17 : memref<!tpu.dma_semaphore, #tpu.memory_space<semaphore_mem>>)
      } else {
      }
    }
    %scan3A_35 = arith.constant 24 : i32
    %dma_wait3A = arith.constant 0 : i32
    %dma_wait3A_36 = tpu.memref_slice %arg4[%dma_wait3A] : memref<38535168xf32, #tpu.memory_space<hbm>> -> memref<12544xf32, #tpu.memory_space<hbm>>
    %dma_wait3A_37 = arith.constant 0 : i32
    %dma_wait3A_38 = tpu.memref_slice %arg4[%dma_wait3A_37] : memref<38535168xf32, #tpu.memory_space<hbm>> -> memref<12544xf32, #tpu.memory_space<hbm>>
    tpu.wait_dma2 semaphore(%arg18 : memref<!tpu.dma_semaphore, #tpu.memory_space<semaphore_mem>>) src(%arg10 : memref<12544xf32, #tpu.memory_space<vmem>>) dst(%dma_wait3A_38 : memref<12544xf32, #tpu.memory_space<hbm>>)
    %dma_wait3A_39 = arith.constant 0 : i32
    %dma_wait3A_40 = tpu.memref_slice %arg4[%dma_wait3A_39] : memref<38535168xf32, #tpu.memory_space<hbm>> -> memref<12544xf32, #tpu.memory_space<hbm>>
    %dma_wait3A_41 = arith.constant 0 : i32
    %dma_wait3A_42 = tpu.memref_slice %arg4[%dma_wait3A_41] : memref<38535168xf32, #tpu.memory_space<hbm>> -> memref<12544xf32, #tpu.memory_space<hbm>>
    tpu.wait_dma2 semaphore(%arg19 : memref<!tpu.dma_semaphore, #tpu.memory_space<semaphore_mem>>) src(%arg11 : memref<12544xf32, #tpu.memory_space<vmem>>) dst(%dma_wait3A_42 : memref<12544xf32, #tpu.memory_space<hbm>>)
    %dma_wait3A_43 = arith.constant 0 : i32
    %dma_wait3A_44 = tpu.memref_slice %arg4[%dma_wait3A_43] : memref<38535168xf32, #tpu.memory_space<hbm>> -> memref<12544xf32, #tpu.memory_space<hbm>>
    %dma_wait3A_45 = arith.constant 0 : i32
    %dma_wait3A_46 = tpu.memref_slice %arg4[%dma_wait3A_45] : memref<38535168xf32, #tpu.memory_space<hbm>> -> memref<12544xf32, #tpu.memory_space<hbm>>
    tpu.wait_dma2 semaphore(%arg20 : memref<!tpu.dma_semaphore, #tpu.memory_space<semaphore_mem>>) src(%arg12 : memref<12544xf32, #tpu.memory_space<vmem>>) dst(%dma_wait3A_46 : memref<12544xf32, #tpu.memory_space<hbm>>)
    %dma_wait3A_47 = arith.constant 0 : i32
    %dma_wait3A_48 = tpu.memref_slice %arg4[%dma_wait3A_47] : memref<38535168xf32, #tpu.memory_space<hbm>> -> memref<12544xf32, #tpu.memory_space<hbm>>
    %dma_wait3A_49 = arith.constant 0 : i32
    %dma_wait3A_50 = tpu.memref_slice %arg4[%dma_wait3A_49] : memref<38535168xf32, #tpu.memory_space<hbm>> -> memref<12544xf32, #tpu.memory_space<hbm>>
    tpu.wait_dma2 semaphore(%arg21 : memref<!tpu.dma_semaphore, #tpu.memory_space<semaphore_mem>>) src(%arg13 : memref<12544xf32, #tpu.memory_space<vmem>>) dst(%dma_wait3A_50 : memref<12544xf32, #tpu.memory_space<hbm>>)
    return
  }
}

</mosaic_0001>

<sc_bundles>
// kernel: _pwlu_sc.3.cloned.1.call-start
scs
__scs_entry_jumppad:
0x0: {  	(pc) =	sbr.rel $0x88, $3  }
0x1: {  	(tag) =	ssettag $0x0;
	lr =	simm.s32 $0x1  }
0x2: {  	[smem:$0x3F9F] =	sst lr;
	_ =	strace $0xD0000000  }
0x3: {  	_ = 	snop  }
0x4: {  	_ = 	snop  }
0x5: {  	_ = 	snop  }
0x6: {  	_ = 	snop  }
0x7: {  	_ = 	snop  }
__scs_overlays_trampoline_lowered:
0x8: {  	[smem:$0x3FAE] =	sst s0  }
0x9: {  	[smem:$0x3FAF] =	sst s1  }
0xa: {  	[smem:$0x3FB0] =	sst s2  }
0xb: {  	[smem:$0x3FB1] =	sst s3  }
0xc: {  	[smem:$0x3FB2] =	sst s4  }
0xd: {  	[smem:$0x3FB3] =	sst s5  }
0xe: {  	[smem:$0x3FB4] =	sst s6  }
0xf: {  	[smem:$0x3FB5] =	sst s7  }
0x10: {  	[smem:$0x3FB6] =	sst s8  }
0x11: {  	[smem:$0x3FB7] =	sst s9;
	s0 =	simm.s32 @!p0 $0x0  }
0x12: {  	s1 =	sld [smem:$0x3F9D];
	s0 =	simm.s32 @p0 $0x1  }
0x13: {  	[smem:$0x3FB8] =	sst s0;
	s0 =	simm.s32 @!p1 $0x0  }
0x14: {  	s2 =	sld [smem:$0x3F9C];
	s0 =	simm.s32 @p1 $0x1  }
0x15: {  	[smem:$0x3FB9] =	sst s0;
	s0 =	simm.s32 @!p2 $0x0  }
0x16: {  	s3 =	sld [smem:$0x3FDB];
	s0 =	simm.s32 @p2 $0x1  }
0x17: {  	s4 =	simm.s32 $0x1BF5;
	[smem:$0x3FBB] =	sst s0  }
0x18: {  	s0 =	sld [smem:$0x3F9E];
	_ =	swait.ge [sflag:s4], $0x0  }
0x19: {  	s7 =	sld [smem:$0x3F9F]  }
0x1a: {  	s8 =	sadd.s32 $0xFFFFE003, lr  }
0x1b: {  	s9 =	sadd.s32 $0xFFFFFEF7, lr;
	s5 =	simm.s32 $0xFFFFFFFF;
	p2 =	slt.u32 s8, $0xFFFFF086  }
0x1c: {  	p1 =	slt.u32 s9, $0xF7A;
	s5 =	simm.s32 @!p2 $0x0  }
0x1d: {  	s5 =	simm.s32 @p1 $0x1;
	p0 =	seq.s32 s7, s2  }
0x1e: {  	s7 =	smul.u32 @!p0 $0xF7A, s2;
	p2 =	seq.s32 @!p0 s5, $0x0  }
0x1f: {  	s9 =	smul.u32 $0xF7A, s1;
	s8 =	simm.s32 @!p0 $0x1BF5;
	p2 =	por !p2, p0  }
0x20: {  	[sflag:s8] =	ssyncset.s32 @!p0 $0xFFFFF086;
	s6 =	sadd.s32 @!p0 s3, s7;
	s7 =	simm.s32 @!p0 $0x108  }
0x21: {  	s3 =	sadd.s32 s3, s9;
	s6 =	sadd.s32 @!p0 $0x88, s6;
	s7 =	simm.s32 @p2 $0x1082  }
0x22: {  	[simem:s7], [sflag:s8] =	dma.local @!p0 [hbm:s6], $0xF7A  }
0x23: {  	s9 =	sor.u32 $0xD0000000, s2;
	s6 =	simm.s32 $0x108;
	_ =	swait.ge @!p0 [sflag:s8], $0x0  }
0x24: {  	s3 =	sadd.s32 $0x88, s3;
	s6 =	simm.s32 @!p1 $0x1082;
	[sflag:s4] =	ssyncset.s32 $0xFFFFF086  }
0x25: {  	[simem:s6], [sflag:s4] =	dma.local [hbm:s3], $0xF7A  }
0x26: {  	[smem:$0x3F9F] =	sst s1;
	(tag) =	ssettag s2;
	_ =	strace s9  }
0x27: {  	s1 =	sld [smem:$0x3FAF]  }
0x28: {  	s2 =	sld [smem:$0x3FB0]  }
0x29: {  	s4 =	sld [smem:$0x3FB2]  }
0x2a: {  	p0 =	seq.s32 s5, $0x0;
	s5 =	sld [smem:$0x3FB3]  }
0x2b: {  	s6 =	sld [smem:$0x3FB4]  }
0x2c: {  	s7 =	sld [smem:$0x3FB5]  }
0x2d: {  	s3 =	simm.s32 $0x108;
	s8 =	sld [smem:$0x3FB6]  }
0x2e: {  	s3 =	simm.s32 @!p0 $0x1082;
	s9 =	sld [smem:$0x3FB7]  }
0x2f: {  	lr =	sadd.s32 s0, s3;
	s0 =	sld [smem:$0x3FAE]  }
0x30: {  	s3 =	sld [smem:$0x3FB1]  }
0x31: {  	[smem:$0x3FBA] =	sst s10  }
0x32: {  	s10 =	sld [smem:$0x3FB8];
	_ =	sdelay $0x3  }
0x33: {  	p0 =	seq.s32 s10, $0x1;
	s10 =	sld [smem:$0x3FBA];
	_ =	sdelay $0x3  }
0x34: {  	[smem:$0x3FBA] =	sst s10  }
0x35: {  	s10 =	sld [smem:$0x3FB9];
	_ =	sdelay $0x3  }
0x36: {  	p1 =	seq.s32 s10, $0x1;
	s10 =	sld [smem:$0x3FBA];
	_ =	sdelay $0x3  }
0x37: {  	[smem:$0x3FBA] =	sst s10  }
0x38: {  	s10 =	sld [smem:$0x3FBB]  }
0x39: {  	_ = 	snop;
	(pc) =	sbr.ind lr, $3  }
0x3a: {  	_ = 	snop  }
0x3b: {  	_ = 	snop  }
0x3c: {  	p2 =	seq.s32 s10, $0x1;
	s10 =	sld [smem:$0x3FBA]  }
0x3d: {  	_ =	shalt  }
0x3e: {  	_ =	shalt  }
0x3f: {  	_ =	shalt  }
0x40: {  	_ =	shalt  }
0x41: {  	_ =	shalt  }
0x42: {  	_ =	shalt  }
0x43: {  	_ =	shalt  }
0x44: {  	_ =	shalt  }
0x45: {  	_ =	shalt  }
0x46: {  	_ =	shalt  }
0x47: {  	_ =	shalt  }
0x48: {  	_ =	shalt  }
0x49: {  	_ =	shalt  }
0x4a: {  	_ =	shalt  }
0x4b: {  	_ =	shalt  }
0x4c: {  	_ =	shalt  }
0x4d: {  	_ =	shalt  }
0x4e: {  	_ =	shalt  }
0x4f: {  	_ =	shalt  }
0x50: {  	_ =	shalt  }
0x51: {  	_ =	shalt  }
0x52: {  	_ =	shalt  }
0x53: {  	_ =	shalt  }
0x54: {  	_ =	shalt  }
0x55: {  	_ =	shalt  }
0x56: {  	_ =	shalt  }
0x57: {  	_ =	shalt  }
0x58: {  	_ =	shalt  }
0x59: {  	_ =	shalt  }
0x5a: {  	_ =	shalt  }
0x5b: {  	_ =	shalt  }
0x5c: {  	_ =	shalt  }
0x5d: {  	_ =	shalt  }
0x5e: {  	_ =	shalt  }
0x5f: {  	_ =	shalt  }
0x60: {  	_ =	shalt  }
0x61: {  	_ =	shalt  }
0x62: {  	_ =	shalt  }
0x63: {  	_ =	shalt  }
0x64: {  	_ =	shalt  }
0x65: {  	_ =	shalt  }
0x66: {  	_ =	shalt  }
0x67: {  	_ =	shalt  }
0x68: {  	_ =	shalt  }
0x69: {  	_ =	shalt  }
0x6a: {  	_ =	shalt  }
0x6b: {  	_ =	shalt  }
0x6c: {  	_ =	shalt  }
0x6d: {  	_ =	shalt  }
0x6e: {  	_ =	shalt  }
0x6f: {  	_ =	shalt  }
0x70: {  	_ =	shalt  }
0x71: {  	_ =	shalt  }
0x72: {  	_ =	shalt  }
0x73: {  	_ =	shalt  }
0x74: {  	_ =	shalt  }
0x75: {  	_ =	shalt  }
0x76: {  	_ =	shalt  }
0x77: {  	_ =	shalt  }
0x78: {  	_ =	shalt  }
0x79: {  	_ =	shalt  }
0x7a: {  	_ =	shalt  }
0x7b: {  	_ =	shalt  }
0x7c: {  	_ =	shalt  }
0x7d: {  	_ =	shalt  }
0x7e: {  	_ =	shalt  }
0x7f: {  	_ =	shalt  }
0x80: {  	_ =	shalt  }
0x81: {  	_ =	shalt  }
0x82: {  	_ =	shalt  }
0x83: {  	_ =	shalt  }
0x84: {  	_ =	shalt  }
0x85: {  	_ =	shalt  }
0x86: {  	_ =	shalt  }
0x87: {  	_ =	shalt  }
.Lfunc_end0:
.L_simem_size_0:
called_computation_lowered:
.L_overlay_start_0:
0x88: {  	s2 =	sld [smem:$0x3FD9]  }
0x89: {  	s3 =	sld [smem:$0x3FFE];
	_ =	sdelay $0x1  }
0x8a: {  	s1 =	srdreg.scid  }
0x8b: {  	s0 =	sand.u32 $0x1, s1  }
0x8c: {  	s17 =	sshll.u32 s0, $0xA;
	s2 =	sadd.s32 s3, s2  }
0x8d: {  	s2 =	sadd.s32 s2, s17  }
0x8e: {  	[smem:$0x3FC6] =	sst s2  }
0x8f: {  	_ = 	snop  }
0x90: {  	s2 =	sld [smem:$0x3FC9]  }
0x91: {  	s18 =	sld [smem:$0x3FD0];
	(tm) =	ssettm $0x1  }
0x92: {  	s4 =	sld [smem:$0x3FFB];
	_ =	sdelay $0x3  }
0x93: {  	_ =	strace s4  }
0x94: {  	s4 =	sld [smem:$0x3FFC];
	_ =	sdelay $0x3  }
0x95: {  	_ =	strace s4  }
0x96: {  	s4 =	sld [smem:$0x3FFD];
	_ =	sdelay $0x3  }
0x97: {  	_ =	strace s4  }
0x98: {  	_ =	strace $0x8FFFFFFF  }
0x99: {  	s19 =	sld [smem:$0x3FDB];
	_ =	sdelay $0x1  }
0x9a: {  	s5 =	simm.s32 $_scs_section_size  }
0x9b: {  	s6 =	simm.s32 $_size__tile_overlayer_lowered;
	s7 =	simm.s32 $_tile_overlayer_lowered  }
0x9c: {  	s22 =	simm.s32 $0x1BFF;
	s21 =	sshll.u32 s7, $0x1;
	s4 =	sadd.s32 s5, s19  }
0x9d: {  	s8 =	simm.s32 $0x0;
	s20 =	sshll.u32 s6, $0x1;
	s6 =	sadd.s32 s21, s4  }
0x9e: {  	[timem:s8], [sflag:s22] =	dma.local [hbm:s6], s20  }
0x9f: {  	_ =	swait.ge [sflag:s22], s20  }
0xa0: {  	s5 =	ssub.s32 $0x0, s20;
	[sflag:s22] =	ssyncset.done $0x0  }
0xa1: {  	[sflag:s22] =	ssyncadd.s32 s5;
	_ =	sdelay $0x1  }
0xa2: {  	s23 =	simm.s32 $0x1B8B  }
0xa3: {  	_ =	swait.ge [sflag:s23], $0x1  }
0xa4: {  	[sflag:s23] =	ssyncset.done $0x0  }
0xa5: {  	s25 =	simm.s32 $0x1B8E;
	s24 =	sld [smem:$0x3FFE];
	[sflag:s23] =	ssyncadd.s32 $0xFFFFFFFF  }
0xa6: {  	s26 =	simm.s32 $execute0_lowered;
	[smem:$0x3FD2] =	sst s25  }
0xa7: {  	s6 =	sshll.u32 s26, $0x1;
	_ =	strace $0x80000046;
	[dreg:$0x1] =	wrdreg $0xFFFFFFFF  }
0xa8: {  	s28 =	simm.s32 $_size_execute0_lowered;
	s4 =	sadd.s32 s4, s6;
	[dreg:$0x0] =	wrdreg $0x0  }
0xa9: {  	s6 =	sshll.u32 s28, $0x1;
	[dreg:$0x2] =	wrdreg s4  }
0xaa: {  	[dreg:$0x3] =	wrdreg s6  }
0xab: {  	[dreg:$0x4] =	wrdreg $0xC0  }
0xac: {  	_ =	task [dreg:s8], $0x5FFFF  }
0xad: {  	[dreg:$0x1] =	wrdreg $0xFFFFFFFF  }
0xae: {  	[dreg:$0x0] =	wrdreg $0x60  }
0xaf: {  	[dreg:$0x2] =	wrdreg s2  }
0xb0: {  	[dreg:$0x3] =	wrdreg s24  }
0xb1: {  	[dreg:$0x4] =	wrdreg s18  }
0xb2: {  	[dreg:$0x5] =	wrdreg $0x9  }
0xb3: {  	_ =	task.clear_ibuf [dreg:s8], $0x6FFFF;
	_ =	strace $0x90000046  }
0xb4: {  	s29 =	simm.s32 $0x9;
	_ =	strace $0x80000048  }
0xb5: {  	_ =	swait.ge [sflag:s29], $0x1  }
0xb6: {  	[sflag:s29] =	ssyncadd.s32 $0xFFFFFFFF  }
0xb7: {  	_ =	strace $0x90000048  }
0xb8: {  	_ =	sfence  }
0xb9: {  	s30 =	sld [smem:$0x0];
	_ =	sdelay $0x2  }
0xba: {  	s31 =	sshll.u32 s1, $0xD;
	s1 =	sshrl.u32 s1, $0x2  }
0xbb: {  	s3 =	sand.u32 $0x4000, s31;
	s1 =	sadd.s32 s1, s30  }
0xbc: {  	s0 =	sor.u32 s3, s0;
	s1 =	sshll.u32 s1, $0x11  }
0xbd: {  	s0 =	sor.u32 s1, s0  }
0xbe: {  	s0 =	sadd.s32 $0x8F2B, s0  }
0xbf: {  	[sflag:s0] =	ssyncadd.remote.s32 $0x1  }
0xc0: {  	_ =	sfence.sel $0xFFFF  }
0xc1: {  	[dreg:$0x0] =	wrdreg $0xFFFFFFFF;
	(pc) =	sbr.abs _section_cstart, $3  }
0xc2: {  	[dreg:$0x1] =	wrdreg $0xFFFFFFFF  }
0xc3: {  	_ =	task.clear_ibuf [dreg:s8], $0x2FFFF;
	_ =	strace $0x9FFFFFFF  }
0xc4: {  	(tm) =	ssettm $0x7FFFFFFF  }
0xc5: {  	_ =	shalt  }
tec
execute0_lowered:
.L_overlay_start_1:
0x0: {  	(tag) =	ssettag $0x1  }
0x1: {  	s1 =	rddreg [dreg:$0x0]  }
0x2: {  	s0 =	rddreg [dreg:$0x1];
	s2 =	srdreg.scid  }
0x3: {  	s4 =	stileid.u32;
	s3 =	rddreg [dreg:$0x2];
	s28 =	simm.s32 $0x2  }
0x4: {  	v0 =	vimm.f32 $-1.500000000e+01;
	vm0 =	vcmask $0x300;
	s29 =	simm.s32 $0x6;
	s30 =	simm.s32 $0xF580;
	s31 =	simm.s32 $0x3  }
0x5: {  	vm14 =	vcmask $0x704;
	s2 =	sand.u32 $0x1, s2;
	s5 =	sshll.u32 s4, $0x1;
	s4 =	simm.s32 $0x0;
	v0 =	vsel vm0, $0x80000000, v0  }
0x6: {  	vm15 =	vcmask $0xB08;
	s12 =	simm.s32 $0x0;
	s7 =	sor.u32 s2, s5;
	[smem:$0x7FF] =	sst s4;
	v0 =	vsel vm14, $0xBF800000, v0  }
0x7: {  	vm4 =	vcmask $0xF0C;
	s2 =	ssub.s32 $0x2, s2;
	s5 =	sadd.s32 $0x400, s0;
	s6 =	smul.u32 $0x126000, s7;
	v0 =	vsel vm15, $0xC0000000, v0  }
0x8: {  	vm5 =	vcmask $0x1310;
	_ =	strace $0x80000047;
	s8 =	sshrl.u32 s2, $0x1;
	s9 =	smul.u32 $0x24C00, s7;
	v0 =	vsel vm4, $0xC0400000, v0  }
0x9: {  	vm6 =	vcmask $0x1714;
	s11 =	smul.u32 $0x18, s7;
	s21 =	ssub.s32 s2, s8;
	s8 =	simm.s32 $0x8;
	v0 =	vsel vm5, $0xC0800000, v0  }
0xa: {  	vm7 =	vcmask $0x1B18;
	s22 =	sshrl.u32 s6, $0x3;
	s6 =	smul.u32 $0x60, s7;
	s23 =	sadd.s32 s1, s9;
	v0 =	vsel vm6, $0xC0A00000, v0  }
0xb: {  	vm8 =	vcmask $0x1F1C;
	v1 =	vimm.s32 $0xFFEDCBA9;
	s0 =	smax.u32 s21, $0x1;
	s7 =	simm.s32 $0x4;
	[dreg:$0x4] =	wrdreg s23;
	v0 =	vsel vm7, $0xC0C00000, v0  }
0xc: {  	vm9 =	vcmask $0x2320;
	v2 =	vimm.s32 $0x87654321;
	s9 =	simm.s32 $0x15780;
	s2 =	sadd.s32 s1, s22;
	[dreg:$0x9] =	wrdreg s0;
	v0 =	vsel vm8, $0xC0E00000, v0  }
0xd: {  	vm10 =	vcmask $0x2724;
	s23 =	simm.s32 $0x9380;
	s0 =	simm.s32 $0x12680;
	s24 =	sadd.s32 $0x620, s2;
	v0 =	vsel vm9, $0xC1000000, v0  }
0xe: {  	vm11 =	vcmask $0x2B28;
	vm12 =	vcmask $0x2F2C;
	s25 =	sadd.s32 $0xC40, s2;
	s2 =	sadd.s32 $0x1260, s2;
	s26 =	sor.u32 $0x4, s6;
	v0 =	vsel vm10, $0xC1100000, v0  }
.Ltmp0:
0xf: {  	v1 =	vunpack.c.l.s4.s8 v1;
	v2 =	vunpack.c.l.s4.s8 v2;
	s13 =	sor.u32 $0x1, s6;
	[dreg:$0x5] =	wrdreg s24;
	v0 =	vsel vm11, $0xC1200000, v0;
	(pc) =	sbr.rel .LBB2_1-.Ltmp0, $4  }
0x10: {  	vm13 =	vcmask $0x3330;
	vm14 =	vcmask $0x3734;
	s14 =	sor.u32 $0x5, s6;
	s15 =	sor.u32 $0x2, s6;
	[dreg:$0x6] =	wrdreg s25;
	v0 =	vsel vm12, $0xC1300000, v0  }
0x11: {  	v1 =	vunpack.c.0.s8.s32 v1;
	v2 =	vunpack.c.0.s8.s32 v2;
	s16 =	sor.u32 $0x6, s6;
	s17 =	sor.u32 $0x3, s6;
	[dreg:$0x7] =	wrdreg s2;
	v0 =	vsel vm13, $0xC1400000, v0  }
0x12: {  	vm15 =	vcmask $0x3B38;
	s18 =	sor.u32 $0x7, s6;
	[dreg:$0x8] =	wrdreg s26;
	s24 =	simm.s32 $0x9;
	v3 =	vsel vm14, $0xC1500000, v0  }
0x13: {  	s25 =	simm.s32 $0x1;
	s26 =	simm.s32 $0xC480;
	s2 =	simm.s32 $0x7;
	v0 =	vcombine.low v2, v1;
	v1 =	vsel vm15, $0xC1600000, v3  }
.LBB2_24:
0x14: {  	s10 =	simm.s32 $0x5  }
0x15: {  	_ =	swait.ge [sflag:s10], $0x3100  }
0x16: {  	[sflag:s10] =	ssyncset.done $0x0  }
0x17: {  	[sflag:s10] =	ssyncadd.s32 $0xFFFFCF00  }
0x18: {  	_ =	swait.ge [sflag:s29], $0x3100  }
0x19: {  	[sflag:s29] =	ssyncset.done $0x0  }
0x1a: {  	[sflag:s29] =	ssyncadd.s32 $0xFFFFCF00  }
0x1b: {  	_ =	swait.ge [sflag:s2], $0x3100  }
0x1c: {  	[sflag:s2] =	ssyncset.done $0x0  }
0x1d: {  	[sflag:s2] =	ssyncadd.s32 $0xFFFFCF00  }
0x1e: {  	_ =	swait.ge [sflag:s8], $0x3100  }
0x1f: {  	s12 =	rddreg [dreg:$0xa]  }
0x20: {  	s22 =	rddreg [dreg:$0x9];
	s12 =	sadd.s32 $0x1, s12  }
0x21: {  	p0 =	sne.s32 s12, s22  }
.Ltmp1:
0x22: {  	_ = 	snop;
	(pc) =	sbr.rel @!p0 .LBB2_25-.Ltmp1, $3  }
0x23: {  	_ =	sdelay $0x1  }
0x24: {  	[sflag:s8] =	ssyncset.done $0x0  }
0x25: {  	[sflag:s8] =	ssyncadd.s32 $0xFFFFCF00  }
.LBB2_1:
0x26: {  	[dreg:$0xa] =	wrdreg s12  }
0x27: {  	s10 =	rddreg [dreg:$0x4];
	s22 =	simm.s32 $0x80  }
0x28: {  	[tilespmem:s22], [sflag:$0x1] =	stream.linear.gather [hbm4b:s10+s4], $0x3100, $0x38;
	[tilespmem:$0x18880] =	vst v63  }
0x29: {  	s12 =	rddreg [dreg:$0x5];
	s19 =	simm.s32 $0x3180  }
0x2a: {  	[tilespmem:s19], [sflag:$0x2] =	stream.linear.gather [hbm4b:s12+s4], $0x3100, $0x38;
	[tilespmem:$0x18880] =	vst v63  }
0x2b: {  	s20 =	rddreg [dreg:$0x6];
	s21 =	simm.s32 $0x6280  }
0x2c: {  	[tilespmem:s21], [sflag:$0x3] =	stream.linear.gather [hbm4b:s20+s4], $0x3100, $0x38;
	[tilespmem:$0x18880] =	vst v63  }
0x2d: {  	s22 =	rddreg [dreg:$0x7];
	s10 =	simm.s32 $0x0  }
0x2e: {  	[tilespmem:s23], [sflag:$0x4] =	stream.linear.gather [hbm4b:s22+s4], $0x3100, $0x38;
	[tilespmem:$0x18880] =	vst v63  }
.LBB2_2:
0x2f: {  	s12 =	sadd.s32 s11, s10  }
0x30: {  	s19 =	smulhi.u32 $0xAAAAAAAB, s12;
	_ =	sdelay $0x1  }
0x31: {  	s19 =	sshrl.u32 s19, $0x7  }
0x32: {  	s19 =	smul.u32 $0xC0, s19;
	_ =	sdelay $0x1  }
0x33: {  	s12 =	ssub.s32 s12, s19  }
0x34: {  	s12 =	sshll.u32 s12, $0x4  }
0x35: {  	s12 =	sadd.s32 s5, s12  }
0x36: {  	[tilespmem:s4], [sflag:$0x9] =	stream.linear.gather [hbm4b:s12+s4], $0x80, $0x38;
	[tilespmem:$0x18880] =	vst v63  }
0x37: {  	_ =	swait.ge [sflag:s24], $0x80  }
0x38: {  	[sflag:s24] =	ssyncset.done $0x0  }
0x39: {  	[sflag:s24] =	ssyncadd.s32 $0xFFFFFF80  }
0x3a: {  	v3 =	vld [tilespmem:$0x0];
	_ =	swait.ge [sflag:s25], $0x3100  }
0x3b: {  	p0 =	seq.s32 s10, $0x0;
	[sflag:s25] =	ssyncset.done $0x0  }
0x3c: {  	s12 =	simm.s32 @!p0 $0x5;
	[sflag:s25] =	ssyncadd.s32 $0xFFFFCF00  }
0x3d: {  	_ =	swait.ge @!p0 [sflag:s12], $0x3100  }
0x3e: {  	[sflag:s12] =	ssyncset.done @!p0 $0x0  }
0x3f: {  	s22 =	simm.s32 $0x100;
	[sflag:s12] =	ssyncadd.s32 @!p0 $0xFFFFCF00  }
0x40: {  	v4 =	vld [tilespmem:s22+$0xFFFFFF90]  }
0x41: {  	v5 =	vld [tilespmem:s22+$0x70]  }
0x42: {  	v6 =	vld [tilespmem:s22+$0x40]  }
0x43: {  	v7 =	vld [tilespmem:s22+$0x60]  }
0x44: {  	v8 =	vld [tilespmem:s22+$0x50]  }
0x45: {  	v2 =	vperm.xlane v3, v0;
	v9 =	vld [tilespmem:s22+$0x30]  }
0x46: {  	v13 =	vld [tilespmem:s22+$0xFFFFFFD0]  }
0x47: {  	v20 =	vld [tilespmem:s22+$0xFFFFFFA0];
	v2 =	vsub.f32 v2, v3  }
0x48: {  	v27 =	vld [tilespmem:s22+$0xFFFFFFF0]  }
0x49: {  	v59 =	vld [tilespmem:s22+$0x10];
	v11 =	vmul.f32 v1, v2;
	v4 =	vmul.f32 $1.111111160e+00, v4  }
0x4a: {  	v12 =	vld [tilespmem:s22+$0x0];
	v8 =	vmul.f32 $1.111111160e+00, v8;
	v6 =	vmul.f32 $1.111111160e+00, v6  }
0x4b: {  	v9 =	vmul.f32 $1.111111160e+00, v9;
	v13 =	vmul.f32 $1.111111160e+00, v13  }
0x4c: {  	v10 =	vadd.f32 $3.000000000e+00, v4;
	v4 =	vmul.f32 $1.111111160e+00, v5;
	v5 =	vmul.f32 $1.111111160e+00, v7  }
0x4d: {  	v3 =	vadd.f32 v11, v3;
	v20 =	vmul.f32 $1.111111160e+00, v20;
	v27 =	vmul.f32 $1.111111160e+00, v27  }
0x4e: {  	v62 =	vmul.f32 $1.111111160e+00, v59;
	v7 =	vld [tilespmem:s22+$0xFFFFFFB0];
	v8 =	vadd.f32 $3.000000000e+00, v8;
	v14 =	vadd.f32 $3.000000000e+00, v5  }
0x4f: {  	v15 =	vadd.f32 $3.000000000e+00, v4;
	v4 =	vmul.f32 $1.111111160e+00, v12;
	v12 =	vadd.f32 $3.000000000e+00, v6  }
0x50: {  	v22 =	vadd.f32 $3.000000000e+00, v9;
	v11 =	vmax.f32 v10, $0.0e+00;
	v6 =	vld [tilespmem:s22+$0xFFFFFFC0];
	v21 =	vmax.f32 v8, $0.0e+00  }
0x51: {  	v5 =	vmin.f32 v11, $5.999999520e+00;
	v16 =	vmax.f32 v14, $0.0e+00;
	v19 =	vmax.f32 v12, $0.0e+00  }
0x52: {  	v11 =	vld [tilespmem:s22+$0x20];
	v17 =	vtrunc.f32 v5;
	v18 =	vmax.f32 v15, $0.0e+00;
	v19 =	vmin.f32 v19, $5.999999520e+00  }
0x53: {  	v5 =	vmul.f32 $1.111111160e+00, v7;
	v18 =	vmin.f32 v18, $5.999999520e+00;
	v9 =	vtrunc.f32 v19  }
0x54: {  	v7 =	vld [tilespmem:s22+$0xFFFFFFE0];
	v19 =	vmin.f32 v21, $5.999999520e+00;
	v18 =	vtrunc.f32 v18;
	v9 =	vcvt.f32.s32 v9  }
0x55: {  	v21 =	vadd.f32 $3.000000000e+00, v4;
	v19 =	vtrunc.f32 v19;
	v6 =	vmul.f32 $1.111111160e+00, v6  }
0x56: {  	v5 =	vadd.f32 $3.000000000e+00, v5;
	v18 =	vcvt.f32.s32 v18;
	v4 =	vcvt.f32.s32 v19  }
0x57: {  	v11 =	vmul.f32 $1.111111160e+00, v11;
	v19 =	vmax.f32 v22, $0.0e+00;
	v28 =	vmax.f32 v21, $0.0e+00  }
0x58: {  	v25 =	vld [tilespmem:s22+$0xFFFFFF80];
	v26 =	vand.u32 $0xF, v9;
	v19 =	vmin.f32 v19, $5.999999520e+00;
	v18 =	vand.u32 $0xF, v18  }
0x59: {  	v7 =	vmul.f32 $1.111111160e+00, v7;
	v24 =	vand.u32 $0xF, v4;
	v4 =	vadd.f32 $3.000000000e+00, v6  }
0x5a: {  	v6 =	vadd.f32 $3.000000000e+00, v20;
	v20 =	vperm.xlane v2, v26;
	v19 =	vtrunc.f32 v19  }
0x5b: {  	v23 =	vmax.f32 v5, $0.0e+00;
	v34 =	vperm.xlane v2, v18;
	v9 =	vperm.xlane v2, v24  }
0x5c: {  	v11 =	vadd.f32 $3.000000000e+00, v11;
	v24 =	vperm.xlane v3, v24;
	v19 =	vcvt.f32.s32 v19  }
0x5d: {  	v23 =	vmin.f32 v23, $5.999999520e+00;
	v20 =	vmul.f32 v20, v12;
	v12 =	vmul.f32 $1.111111160e+00, v25  }
0x5e: {  	v7 =	vadd.f32 $3.000000000e+00, v7;
	v55 =	vmax.f32 v11, $0.0e+00;
	v15 =	vmul.f32 v34, v15  }
0x5f: {  	v8 =	vmul.f32 v9, v8;
	v9 =	vmax.f32 v6, $0.0e+00;
	v19 =	vand.u32 $0xF, v19  }
0x60: {  	v9 =	vmin.f32 v9, $5.999999520e+00;
	v56 =	vadd.f32 $3.000000000e+00, v12;
	v30 =	vperm.xlane v3, v19  }
0x61: {  	v12 =	vmin.f32 v16, $5.999999520e+00;
	v16 =	vtrunc.f32 v23;
	v19 =	vperm.xlane v2, v19  }
0x62: {  	v24 =	vadd.f32 v8, v24;
	v8 =	vcvt.f32.s32 v17;
	v17 =	vmin.f32 v28, $5.999999520e+00  }
0x63: {  	v23 =	vmax.f32 v4, $0.0e+00;
	v9 =	vtrunc.f32 v9;
	v17 =	vtrunc.f32 v17  }
0x64: {  	v35 =	vmax.f32 v7, $0.0e+00;
	v12 =	vtrunc.f32 v12;
	v17 =	vcvt.f32.s32 v17  }
0x65: {  	v16 =	vcvt.f32.s32 v16;
	v60 =	vmin.f32 v35, $5.999999520e+00;
	v23 =	vmin.f32 v23, $5.999999520e+00  }
0x66: {  	v29 =	vcvt.f32.s32 v9;
	v9 =	vadd.f32 $3.000000000e+00, v27;
	v17 =	vand.u32 $0xF, v17  }
0x67: {  	v27 =	vmin.f32 v55, $5.999999520e+00;
	v33 =	vperm.xlane v3, v17;
	v17 =	vperm.xlane v2, v17  }
0x68: {  	v31 =	vmax.f32 v56, $0.0e+00;
	v12 =	vcvt.f32.s32 v12;
	v61 =	vtrunc.f32 v60  }
0x69: {  	v31 =	vmin.f32 v31, $5.999999520e+00;
	v32 =	vmax.f32 v9, $0.0e+00;
	v17 =	vmul.f32 v17, v21  }
0x6a: {  	v21 =	vand.u32 $0xF, v12;
	v12 =	vperm.xlane v3, v18;
	v18 =	vtrunc.f32 v31  }
0x6b: {  	v27 =	vtrunc.f32 v27;
	v32 =	vmin.f32 v32, $5.999999520e+00;
	v18 =	vcvt.f32.s32 v18  }
0x6c: {  	v32 =	vtrunc.f32 v32;
	v57 =	vadd.f32 v17, v33;
	v17 =	vperm.xlane v2, v21  }
0x6d: {  	v58 =	vadd.f32 v15, v12;
	v15 =	vand.u32 $0xF, v18;
	v18 =	vmul.f32 v19, v22  }
0x6e: {  	v12 =	vadd.f32 $3.000000000e+00, v13;
	v14 =	vmul.f32 v17, v14;
	v17 =	vcvt.f32.s32 v32  }
0x6f: {  	v25 =	vand.u32 $0xF, v8;
	v19 =	vperm.xlane v3, v15;
	v15 =	vperm.xlane v2, v15  }
0x70: {  	v8 =	vperm.xlane v3, v25;
	v13 =	vperm.xlane v3, v21;
	v21 =	vmax.f32 v12, $0.0e+00  }
0x71: {  	v21 =	vmin.f32 v21, $5.999999520e+00;
	v22 =	vand.u32 $0xF, v17;
	v28 =	vmul.f32 v15, v56  }
0x72: {  	v16 =	vand.u32 $0xF, v16;
	v21 =	vtrunc.f32 v21;
	v17 =	vperm.xlane v2, v22  }
0x73: {  	v29 =	vand.u32 $0xF, v29;
	v15 =	vperm.xlane v3, v22;
	v22 =	vcvt.f32.s32 v27  }
0x74: {  	s21 =	simm.s32 $0xC500;
	v14 =	vadd.f32 v14, v13;
	v13 =	vperm.xlane v3, v29;
	v21 =	vcvt.f32.s32 v21  }
0x75: {  	[tilespmem:s21+$0x50] =	vst v24;
	v27 =	vadd.f32 v28, v19;
	v19 =	vand.u32 $0xF, v22;
	v22 =	vperm.xlane v3, v26  }
0x76: {  	[tilespmem:s21+$0x60] =	vst v14;
	v14 =	vadd.f32 $3.000000000e+00, v62;
	v26 =	vcvt.f32.s32 v61;
	v24 =	vperm.xlane v2, v19  }
0x77: {  	[tilespmem:s21+$0x0] =	vst v57;
	v63 =	vadd.f32 v20, v22;
	v22 =	vperm.xlane v2, v25;
	v25 =	vadd.f32 v18, v30  }
0x78: {  	[tilespmem:s21+$0x70] =	vst v58;
	v18 =	vperm.xlane v2, v16;
	v20 =	vmul.f32 v24, v11;
	v11 =	vand.u32 $0xF, v21  }
0x79: {  	[tilespmem:s21+$0xFFFFFF80] =	vst v27;
	v24 =	vtrunc.f32 v23;
	v21 =	vand.u32 $0xF, v26;
	v26 =	vperm.xlane v2, v29  }
0x7a: {  	s20 =	simm.s32 $0xC500;
	v27 =	vmax.f32 v14, $0.0e+00;
	v22 =	vmul.f32 v22, v10;
	[tilespmem:s21+$0x40] =	vst v63;
	v10 =	vperm.xlane v2, v11  }
0x7b: {  	s19 =	sshll.u32 s10, $0x2;
	s12 =	simm.s32 $0x200;
	s22 =	simm.s32 $0x0;
	v23 =	vperm.xlane v2, v21;
	[tilespmem:s21+$0x30] =	vst v25;
	v21 =	vperm.xlane v3, v21;
	v25 =	vmin.f32 v27, $5.999999520e+00  }
.LBB2_3:
0x7c: {  	v27 =	vld [tilespmem:s12+$0xFFFFFF90];
	s22 =	sadd.s32 $0x100, s22;
	v8 =	vadd.f32 v22, v8;
	v22 =	vcvt.f32.s32 v24;
	v9 =	vmul.f32 v17, v9;
	s21 =	sadd.s32 $0x100, s21  }
0x7d: {  	v19 =	vperm.xlane v3, v19;
	v17 =	vld [tilespmem:s12+$0x70];
	p1 =	slt.u32 s22, $0x3000;
	v6 =	vmul.f32 v26, v6  }
0x7e: {  	v7 =	vmul.f32 v23, v7;
	v24 =	vld [tilespmem:s12+$0x40];
	[tilespmem:s20+$0xFFFFFF90] =	vst v8;
	v8 =	vadd.f32 v9, v15;
	v9 =	vtrunc.f32 v25  }
0x7f: {  	v16 =	vperm.xlane v3, v16;
	v12 =	vmul.f32 v10, v12;
	v19 =	vadd.f32 v20, v19;
	v15 =	vld [tilespmem:s12+$0x60]  }
0x80: {  	v22 =	vand.u32 $0xF, v22;
	v7 =	vadd.f32 v7, v21;
	v9 =	vcvt.f32.s32 v9;
	v20 =	vld [tilespmem:s12+$0x50]  }
0x81: {  	v5 =	vmul.f32 v18, v5;
	v6 =	vadd.f32 v6, v13;
	v10 =	vmul.f32 $1.111111160e+00, v27;
	v21 =	vld [tilespmem:s12+$0x30];
	[tilespmem:s20+$0xFFFFFFF0] =	vst v8  }
0x82: {  	v11 =	vperm.xlane v3, v11;
	v8 =	vld [tilespmem:s12+$0xFFFFFF80];
	v17 =	vmul.f32 $1.111111160e+00, v17;
	[tilespmem:s20+$0xFFFFFFE0] =	vst v7;
	v7 =	vand.u32 $0xF, v9  }
0x83: {  	v5 =	vadd.f32 v5, v16;
	v16 =	vperm.xlane v3, v22;
	v10 =	vadd.f32 $3.000000000e+00, v10;
	v9 =	vld [tilespmem:s12+$0x0];
	[tilespmem:s20+$0x20] =	vst v19  }
0x84: {  	v11 =	vadd.f32 v12, v11;
	v18 =	vld [tilespmem:s12+$0x20];
	v13 =	vmul.f32 $1.111111160e+00, v15;
	[tilespmem:s20+$0xFFFFFFA0] =	vst v6;
	v6 =	vperm.xlane v2, v22  }
0x85: {  	v12 =	vmax.f32 v10, $0.0e+00;
	v15 =	vld [tilespmem:s12+$0xFFFFFFB0];
	v19 =	vmul.f32 $1.111111160e+00, v20;
	[tilespmem:s20+$0xFFFFFFB0] =	vst v5;
	v5 =	vperm.xlane v3, v7  }
0x86: {  	v7 =	vperm.xlane v2, v7;
	v20 =	vld [tilespmem:s12+$0xFFFFFFD0];
	v21 =	vmul.f32 $1.111111160e+00, v21;
	v13 =	vadd.f32 $3.000000000e+00, v13;
	[tilespmem:s20+$0xFFFFFFD0] =	vst v11  }
0x87: {  	v23 =	vmul.f32 $1.111111160e+00, v24;
	v17 =	vadd.f32 $3.000000000e+00, v17;
	v12 =	vmin.f32 v12, $5.999999520e+00;
	v22 =	vld [tilespmem:s12+$0xFFFFFFA0]  }
0x88: {  	v4 =	vmul.f32 v6, v4;
	v9 =	vmul.f32 $1.111111160e+00, v9;
	v11 =	vld [tilespmem:s12+$0x10];
	v24 =	vmax.f32 v13, $0.0e+00  }
0x89: {  	v23 =	vadd.f32 $3.000000000e+00, v23;
	v12 =	vtrunc.f32 v12;
	v7 =	vmul.f32 v7, v14;
	v6 =	vld [tilespmem:s12+$0xFFFFFFC0]  }
0x8a: {  	v14 =	vmul.f32 $1.111111160e+00, v15;
	v15 =	vadd.f32 $3.000000000e+00, v19;
	v19 =	vmax.f32 v17, $0.0e+00  }
0x8b: {  	v26 =	vmax.f32 v23, $0.0e+00;
	v4 =	vadd.f32 v4, v16;
	v20 =	vmul.f32 $1.111111160e+00, v20;
	v25 =	vld [tilespmem:s12+$0xFFFFFFE0]  }
0x8c: {  	v16 =	vadd.f32 $3.000000000e+00, v21;
	v21 =	vmin.f32 v26, $5.999999520e+00;
	v26 =	vmax.f32 v15, $0.0e+00  }
0x8d: {  	v21 =	vtrunc.f32 v21;
	v27 =	vld [tilespmem:s12+$0xFFFFFFF0];
	v26 =	vmin.f32 v26, $5.999999520e+00;
	[tilespmem:s20+$0xFFFFFFC0] =	vst v4;
	v4 =	vadd.f32 v7, v5  }
0x8e: {  	v5 =	vadd.f32 $3.000000000e+00, v14;
	v7 =	vcvt.f32.s32 v21;
	v14 =	vtrunc.f32 v26  }
0x8f: {  	v21 =	vadd.f32 $3.000000000e+00, v9;
	v6 =	vmul.f32 $1.111111160e+00, v6;
	v9 =	vcvt.f32.s32 v14;
	[tilespmem:s20+$0x10] =	vst v4;
	s20 =	smov.u32 s21  }
0x90: {  	v18 =	vmul.f32 $1.111111160e+00, v18;
	v14 =	vmul.f32 $1.111111160e+00, v25;
	v25 =	vmax.f32 v16, $0.0e+00  }
0x91: {  	v22 =	vmul.f32 $1.111111160e+00, v22;
	v26 =	vmax.f32 v5, $0.0e+00;
	v9 =	vand.u32 $0xF, v9  }
0x92: {  	v28 =	vand.u32 $0xF, v7;
	v4 =	vadd.f32 $3.000000000e+00, v6;
	v7 =	vperm.xlane v2, v9  }
0x93: {  	v6 =	vadd.f32 $3.000000000e+00, v22;
	v22 =	vmin.f32 v25, $5.999999520e+00;
	v25 =	vperm.xlane v2, v28  }
0x94: {  	v18 =	vadd.f32 $3.000000000e+00, v18;
	v9 =	vperm.xlane v3, v9;
	v7 =	vmul.f32 v7, v15  }
0x95: {  	v29 =	vmax.f32 v21, $0.0e+00;
	v22 =	vtrunc.f32 v22;
	v15 =	vmax.f32 v6, $0.0e+00  }
0x96: {  	v23 =	vmul.f32 v25, v23;
	v15 =	vmin.f32 v15, $5.999999520e+00;
	v9 =	vadd.f32 v7, v9  }
0x97: {  	v25 =	vmul.f32 $1.111111160e+00, v8;
	v8 =	vcvt.f32.s32 v12;
	v12 =	vmin.f32 v29, $5.999999520e+00  }
0x98: {  	v12 =	vtrunc.f32 v12;
	v15 =	vtrunc.f32 v15;
	v7 =	vadd.f32 $3.000000000e+00, v14;
	[tilespmem:s21+$0x50] =	vst v9  }
0x99: {  	v22 =	vcvt.f32.s32 v22;
	v14 =	vand.u32 $0xF, v8;
	v9 =	vmul.f32 $1.111111160e+00, v27  }
0x9a: {  	v26 =	vmin.f32 v26, $5.999999520e+00;
	v8 =	vperm.xlane v3, v14;
	v27 =	vmax.f32 v18, $0.0e+00  }
0x9b: {  	v19 =	vmin.f32 v19, $5.999999520e+00;
	v15 =	vcvt.f32.s32 v15;
	v9 =	vadd.f32 $3.000000000e+00, v9  }
0x9c: {  	v19 =	vtrunc.f32 v19;
	v22 =	vand.u32 $0xF, v22;
	v27 =	vmin.f32 v27, $5.999999520e+00  }
0x9d: {  	v24 =	vmin.f32 v24, $5.999999520e+00;
	v25 =	vadd.f32 $3.000000000e+00, v25;
	v29 =	vperm.xlane v3, v22  }
0x9e: {  	v26 =	vtrunc.f32 v26;
	v30 =	vmax.f32 v4, $0.0e+00;
	v12 =	vcvt.f32.s32 v12  }
0x9f: {  	v19 =	vcvt.f32.s32 v19;
	v31 =	vmax.f32 v25, $0.0e+00;
	v27 =	vtrunc.f32 v27  }
0xa0: {  	v24 =	vtrunc.f32 v24;
	v22 =	vperm.xlane v2, v22;
	v12 =	vand.u32 $0xF, v12  }
0xa1: {  	v19 =	vand.u32 $0xF, v19;
	v33 =	vperm.xlane v3, v12;
	v32 =	vmax.f32 v9, $0.0e+00  }
0xa2: {  	v12 =	vperm.xlane v2, v12;
	v34 =	vand.u32 $0xF, v15;
	v15 =	vperm.xlane v2, v19  }
0xa3: {  	v24 =	vcvt.f32.s32 v24;
	v31 =	vmin.f32 v31, $5.999999520e+00;
	v32 =	vmin.f32 v32, $5.999999520e+00  }
0xa4: {  	v26 =	vcvt.f32.s32 v26;
	v35 =	vmax.f32 v7, $0.0e+00;
	v12 =	vmul.f32 v12, v21  }
0xa5: {  	v19 =	vperm.xlane v3, v19;
	v21 =	vand.u32 $0xF, v24;
	v15 =	vmul.f32 v15, v17  }
0xa6: {  	v17 =	vtrunc.f32 v31;
	v31 =	vperm.xlane v2, v21;
	v24 =	vadd.f32 v12, v33  }
0xa7: {  	v17 =	vcvt.f32.s32 v17;
	v15 =	vadd.f32 v15, v19;
	v32 =	vtrunc.f32 v32  }
0xa8: {  	v12 =	vadd.f32 $3.000000000e+00, v20;
	v19 =	vperm.xlane v3, v21;
	v13 =	vmul.f32 v31, v13;
	[tilespmem:s21+$0x0] =	vst v24  }
0xa9: {  	v21 =	vmul.f32 v22, v16;
	v17 =	vand.u32 $0xF, v17;
	v20 =	vcvt.f32.s32 v32;
	[tilespmem:s21+$0x70] =	vst v15  }
0xaa: {  	v16 =	vperm.xlane v3, v17;
	v19 =	vadd.f32 v13, v19;
	v15 =	vperm.xlane v2, v17  }
0xab: {  	v13 =	vperm.xlane v3, v34;
	v20 =	vand.u32 $0xF, v20;
	v17 =	vmax.f32 v12, $0.0e+00  }
0xac: {  	v24 =	vmin.f32 v17, $5.999999520e+00;
	v17 =	vperm.xlane v2, v20;
	v22 =	vmul.f32 v15, v25;
	[tilespmem:s21+$0x60] =	vst v19  }
0xad: {  	v15 =	vperm.xlane v3, v20;
	v20 =	vcvt.f32.s32 v27;
	v19 =	vmin.f32 v35, $5.999999520e+00  }
0xae: {  	v24 =	vtrunc.f32 v24;
	v22 =	vadd.f32 v22, v16;
	v16 =	vand.u32 $0xF, v26  }
0xaf: {  	v25 =	vtrunc.f32 v19;
	v19 =	vand.u32 $0xF, v20;
	v20 =	vperm.xlane v3, v28  }
0xb0: {  	v26 =	vmin.f32 v30, $5.999999520e+00;
	v25 =	vcvt.f32.s32 v25;
	[tilespmem:s21+$0xFFFFFF80] =	vst v22;
	v22 =	vperm.xlane v2, v19  }
0xb1: {  	v27 =	vmul.f32 $1.111111160e+00, v11;
	v24 =	vcvt.f32.s32 v24;
	v23 =	vadd.f32 v23, v20  }
.Ltmp2:
0xb2: {  	v21 =	vadd.f32 v21, v29;
	v28 =	vperm.xlane v2, v14;
	v20 =	vmul.f32 v22, v18;
	(pc) =	sbr.rel @p1 .LBB2_3-.Ltmp2, $4  }
0xb3: {  	v14 =	vadd.f32 $3.000000000e+00, v27;
	v11 =	vand.u32 $0xF, v24;
	v18 =	vperm.xlane v2, v16;
	[tilespmem:s21+$0x40] =	vst v23  }
0xb4: {  	v24 =	vtrunc.f32 v26;
	v25 =	vand.u32 $0xF, v25;
	v22 =	vmul.f32 v28, v10;
	[tilespmem:s21+$0x30] =	vst v21  }
0xb5: {  	v27 =	vmax.f32 v14, $0.0e+00;
	v10 =	vperm.xlane v2, v11;
	v23 =	vperm.xlane v2, v25  }
0xb6: {  	s12 =	sadd.s32 $0x100, s12;
	v26 =	vperm.xlane v2, v34;
	v21 =	vperm.xlane v3, v25;
	v25 =	vmin.f32 v27, $5.999999520e+00  }
0xb7: {  	v24 =	vcvt.f32.s32 v24  }
0xb8: {  	v9 =	vmul.f32 v17, v9;
	v53 =	vperm.xlane v3, v19  }
0xb9: {  	v7 =	vmul.f32 v23, v7;
	v54 =	vtrunc.f32 v25  }
0xba: {  	v8 =	vadd.f32 v22, v8;
	v16 =	vperm.xlane v3, v16;
	v10 =	vmul.f32 v10, v12  }
0xbb: {  	v5 =	vmul.f32 v18, v5;
	v55 =	vcvt.f32.s32 v54;
	v9 =	vadd.f32 v9, v15  }
0xbc: {  	v11 =	vperm.xlane v3, v11;
	[tilespmem:s20+$0xFFFFFF90] =	vst v8;
	v57 =	vand.u32 $0xF, v24;
	v7 =	vadd.f32 v7, v21  }
0xbd: {  	v56 =	vadd.f32 v20, v53;
	v58 =	vand.u32 $0xF, v55;
	v59 =	vperm.xlane v2, v57;
	[tilespmem:s20+$0xFFFFFFF0] =	vst v9  }
0xbe: {  	v6 =	vmul.f32 v26, v6;
	v5 =	vadd.f32 v5, v16;
	[tilespmem:s20+$0xFFFFFFE0] =	vst v7;
	v60 =	vperm.xlane v2, v58  }
0xbf: {  	v62 =	vadd.f32 v10, v11;
	v61 =	vperm.xlane v3, v57;
	[tilespmem:s20+$0x20] =	vst v56;
	v4 =	vmul.f32 v59, v4  }
0xc0: {  	p1 =	sne.s32 s10, $0x17;
	v6 =	vadd.f32 v6, v13;
	v63 =	vperm.xlane v3, v58;
	[tilespmem:s20+$0xFFFFFFB0] =	vst v5;
	v7 =	vmul.f32 v60, v14  }
.Ltmp3:
0xc1: {  	s12 =	sadd.s32 s6, s19;
	[tilespmem:s20+$0xFFFFFFD0] =	vst v62;
	v4 =	vadd.f32 v4, v61;
	(pc) =	sbr.rel @p1 .LBB2_6-.Ltmp3, $4  }
0xc2: {  	s12 =	smul.u32 $0x620, s12;
	[tilespmem:s20+$0xFFFFFFA0] =	vst v6;
	v5 =	vadd.f32 v7, v63  }
0xc3: {  	[tilespmem:s20+$0xFFFFFFC0] =	vst v4  }
0xc4: {  	s12 =	sadd.s32 s3, s12;
	[tilespmem:s20+$0x10] =	vst v5  }
0xc5: {  	[hbm4b:s12+s4] =	stream.linear.scatter [tilespmem:s26], [sflag:$0x5], $0x3100, $0x38;
	[tilespmem:$0x18880] =	vst v63  }
.Ltmp4:
0xc6: {  	(pc) =	sbr.rel .LBB2_7-.Ltmp4, $4  }
0xc7: {  	_ = 	snop  }
0xc8: {  	_ =	swait.ge [sflag:s28], $0x3100  }
0xc9: {  	[sflag:s28] =	ssyncset.done $0x0  }
0xca: {  	[sflag:s28] =	ssyncadd.s32 $0xFFFFCF00  }
.LBB2_6:
0xcb: {  	s12 =	rddreg [dreg:$0x8]  }
0xcc: {  	s12 =	sadd.s32 s19, s12  }
0xcd: {  	s12 =	smul.u32 $0x620, s12;
	_ =	sdelay $0x1  }
.Ltmp5:
0xce: {  	s20 =	simm.s32 $0x80;
	s12 =	sadd.s32 s1, s12;
	(pc) =	sbr.rel @p0 .LBB2_8-.Ltmp5, $4  }
0xcf: {  	[tilespmem:s20], [sflag:$0x1] =	stream.linear.gather [hbm4b:s12+s4], $0x3100, $0x38;
	[tilespmem:$0x18880] =	vst v63  }
0xd0: {  	_ =	swait.ge [sflag:s28], $0x3100  }
0xd1: {  	[sflag:s28] =	ssyncset.done $0x0  }
0xd2: {  	[sflag:s28] =	ssyncadd.s32 $0xFFFFCF00  }
.LBB2_7:
0xd3: {  	_ =	swait.ge [sflag:s29], $0x3100  }
0xd4: {  	[sflag:s29] =	ssyncset.done $0x0  }
0xd5: {  	[sflag:s29] =	ssyncadd.s32 $0xFFFFCF00  }
.LBB2_8:
0xd6: {  	s12 =	simm.s32 $0x3200  }
0xd7: {  	v4 =	vld [tilespmem:s12+$0xFFFFFF90]  }
0xd8: {  	v5 =	vld [tilespmem:s12+$0x70]  }
0xd9: {  	v6 =	vld [tilespmem:s12+$0x40]  }
0xda: {  	v7 =	vld [tilespmem:s12+$0x60]  }
0xdb: {  	v8 =	vld [tilespmem:s12+$0x50]  }
0xdc: {  	v9 =	vld [tilespmem:s12+$0x30]  }
0xdd: {  	v13 =	vld [tilespmem:s12+$0xFFFFFFD0]  }
0xde: {  	v20 =	vld [tilespmem:s12+$0xFFFFFFA0];
	_ =	sdelay $0x1  }
0xdf: {  	v11 =	vld [tilespmem:s12+$0x0];
	v4 =	vmul.f32 $1.111111160e+00, v4;
	v8 =	vmul.f32 $1.111111160e+00, v8  }
0xe0: {  	v6 =	vmul.f32 $1.111111160e+00, v6;
	v9 =	vmul.f32 $1.111111160e+00, v9  }
0xe1: {  	v10 =	vadd.f32 $3.000000000e+00, v4;
	v4 =	vmul.f32 $1.111111160e+00, v5;
	v5 =	vmul.f32 $1.111111160e+00, v7  }
0xe2: {  	v13 =	vmul.f32 $1.111111160e+00, v13;
	v20 =	vmul.f32 $1.111111160e+00, v20;
	v7 =	vld [tilespmem:s12+$0xFFFFFFB0];
	v8 =	vadd.f32 $3.000000000e+00, v8  }
0xe3: {  	v22 =	vadd.f32 $3.000000000e+00, v9;
	v12 =	vmax.f32 v10, $0.0e+00;
	v14 =	vadd.f32 $3.000000000e+00, v5  }
0xe4: {  	v15 =	vadd.f32 $3.000000000e+00, v4;
	v4 =	vmul.f32 $1.111111160e+00, v11;
	v11 =	vadd.f32 $3.000000000e+00, v6  }
0xe5: {  	v6 =	vld [tilespmem:s12+$0xFFFFFFC0];
	v21 =	vmax.f32 v8, $0.0e+00;
	v5 =	vmin.f32 v12, $5.999999520e+00;
	v16 =	vmax.f32 v14, $0.0e+00  }
0xe6: {  	v12 =	vld [tilespmem:s12+$0x20];
	v17 =	vtrunc.f32 v5;
	v18 =	vmax.f32 v15, $0.0e+00;
	v19 =	vmax.f32 v11, $0.0e+00  }
0xe7: {  	v5 =	vmul.f32 $1.111111160e+00, v7;
	v19 =	vmin.f32 v19, $5.999999520e+00;
	v18 =	vmin.f32 v18, $5.999999520e+00  }
0xe8: {  	v7 =	vld [tilespmem:s12+$0xFFFFFFE0];
	v9 =	vtrunc.f32 v19;
	v19 =	vmin.f32 v21, $5.999999520e+00;
	v18 =	vtrunc.f32 v18  }
0xe9: {  	v21 =	vadd.f32 $3.000000000e+00, v4;
	v9 =	vcvt.f32.s32 v9;
	v19 =	vtrunc.f32 v19  }
0xea: {  	v5 =	vadd.f32 $3.000000000e+00, v5;
	v6 =	vmul.f32 $1.111111160e+00, v6;
	v18 =	vcvt.f32.s32 v18  }
0xeb: {  	v4 =	vcvt.f32.s32 v19;
	v12 =	vmul.f32 $1.111111160e+00, v12;
	v19 =	vmax.f32 v22, $0.0e+00  }
0xec: {  	v23 =	vmax.f32 v5, $0.0e+00;
	v26 =	vand.u32 $0xF, v9;
	v19 =	vmin.f32 v19, $5.999999520e+00  }
0xed: {  	v18 =	vand.u32 $0xF, v18;
	v7 =	vmul.f32 $1.111111160e+00, v7;
	v24 =	vand.u32 $0xF, v4  }
0xee: {  	v4 =	vadd.f32 $3.000000000e+00, v6;
	v6 =	vadd.f32 $3.000000000e+00, v20;
	v20 =	vperm.xlane v2, v26  }
0xef: {  	v28 =	vadd.f32 $3.000000000e+00, v12;
	v19 =	vtrunc.f32 v19;
	v34 =	vperm.xlane v2, v18  }
0xf0: {  	v25 =	vld [tilespmem:s12+$0xFFFFFF80];
	v23 =	vmin.f32 v23, $5.999999520e+00;
	v9 =	vperm.xlane v2, v24;
	v12 =	vperm.xlane v3, v24  }
0xf1: {  	v27 =	vld [tilespmem:s12+$0xFFFFFFF0];
	v24 =	vmax.f32 v21, $0.0e+00;
	v19 =	vcvt.f32.s32 v19;
	v11 =	vmul.f32 v20, v11  }
0xf2: {  	v7 =	vadd.f32 $3.000000000e+00, v7;
	v8 =	vmul.f32 v9, v8;
	v9 =	vmax.f32 v6, $0.0e+00  }
0xf3: {  	v15 =	vmul.f32 v34, v15;
	v19 =	vand.u32 $0xF, v19;
	v9 =	vmin.f32 v9, $5.999999520e+00  }
0xf4: {  	v30 =	vperm.xlane v3, v19;
	v19 =	vperm.xlane v2, v19;
	v20 =	vadd.f32 v8, v12  }
0xf5: {  	v12 =	vmul.f32 $1.111111160e+00, v25;
	v8 =	vcvt.f32.s32 v17;
	v17 =	vmin.f32 v24, $5.999999520e+00  }
0xf6: {  	v9 =	vtrunc.f32 v9;
	v25 =	vmul.f32 $1.111111160e+00, v27;
	v27 =	vmax.f32 v28, $0.0e+00  }
0xf7: {  	v17 =	vtrunc.f32 v17;
	v29 =	vcvt.f32.s32 v9;
	v24 =	vand.u32 $0xF, v8  }
0xf8: {  	v9 =	vadd.f32 $3.000000000e+00, v25;
	v25 =	vmin.f32 v27, $5.999999520e+00;
	v27 =	vadd.f32 $3.000000000e+00, v12  }
0xf9: {  	v12 =	vmin.f32 v16, $5.999999520e+00;
	v16 =	vtrunc.f32 v23;
	v17 =	vcvt.f32.s32 v17  }
0xfa: {  	v35 =	vmax.f32 v7, $0.0e+00;
	v8 =	vperm.xlane v3, v24;
	v25 =	vtrunc.f32 v25  }
0xfb: {  	v12 =	vtrunc.f32 v12;
	v16 =	vcvt.f32.s32 v16;
	v17 =	vand.u32 $0xF, v17  }
0xfc: {  	v61 =	vmin.f32 v35, $5.999999520e+00;
	v33 =	vperm.xlane v3, v17;
	v17 =	vperm.xlane v2, v17  }
0xfd: {  	v31 =	vmax.f32 v27, $0.0e+00;
	v32 =	vmax.f32 v9, $0.0e+00;
	v12 =	vcvt.f32.s32 v12  }
0xfe: {  	v31 =	vmin.f32 v31, $5.999999520e+00;
	v32 =	vmin.f32 v32, $5.999999520e+00;
	v17 =	vmul.f32 v17, v21  }
0xff: {  	v21 =	vand.u32 $0xF, v12;
	v12 =	vperm.xlane v3, v18;
	v18 =	vtrunc.f32 v31  }
0x100: {  	v32 =	vtrunc.f32 v32;
	v18 =	vcvt.f32.s32 v18;
	v58 =	vadd.f32 v17, v33  }
0x101: {  	v17 =	vperm.xlane v2, v21;
	v59 =	vadd.f32 v15, v12;
	v12 =	vadd.f32 $3.000000000e+00, v13  }
0x102: {  	v13 =	vperm.xlane v3, v21;
	v15 =	vand.u32 $0xF, v18;
	v18 =	vmul.f32 v19, v22  }
0x103: {  	v23 =	vmax.f32 v4, $0.0e+00;
	v14 =	vmul.f32 v17, v14;
	v17 =	vcvt.f32.s32 v32  }
0x104: {  	v19 =	vperm.xlane v3, v15;
	v15 =	vperm.xlane v2, v15;
	v21 =	vmax.f32 v12, $0.0e+00  }
0x105: {  	v16 =	vand.u32 $0xF, v16;
	v21 =	vmin.f32 v21, $5.999999520e+00;
	v63 =	vadd.f32 v18, v30  }
0x106: {  	v60 =	vld [tilespmem:s12+$0x10];
	v18 =	vperm.xlane v2, v16;
	v22 =	vand.u32 $0xF, v17;
	v27 =	vmul.f32 v15, v27  }
0x107: {  	v29 =	vand.u32 $0xF, v29;
	v21 =	vtrunc.f32 v21;
	v17 =	vperm.xlane v2, v22  }
0x108: {  	v14 =	vadd.f32 v14, v13;
	v15 =	vperm.xlane v3, v22;
	v22 =	vcvt.f32.s32 v25  }
0x109: {  	s21 =	simm.s32 $0xF600;
	v13 =	vperm.xlane v3, v29;
	v21 =	vcvt.f32.s32 v21;
	v25 =	vadd.f32 v27, v19  }
0x10a: {  	[tilespmem:s21+$0x50] =	vst v20;
	v27 =	vtrunc.f32 v61;
	v19 =	vand.u32 $0xF, v22;
	v22 =	vperm.xlane v3, v26  }
0x10b: {  	v23 =	vmin.f32 v23, $5.999999520e+00;
	[tilespmem:s21+$0x0] =	vst v58;
	v26 =	vcvt.f32.s32 v27;
	v27 =	vmul.f32 $1.111111160e+00, v60  }
0x10c: {  	[tilespmem:s21+$0x70] =	vst v59;
	v20 =	vperm.xlane v2, v19;
	v62 =	vadd.f32 v11, v22;
	v22 =	vperm.xlane v2, v24  }
0x10d: {  	[tilespmem:s21+$0x60] =	vst v14;
	v11 =	vand.u32 $0xF, v21;
	v14 =	vadd.f32 $3.000000000e+00, v27;
	v24 =	vtrunc.f32 v23  }
0x10e: {  	[tilespmem:s21+$0x30] =	vst v63;
	v21 =	vand.u32 $0xF, v26;
	v26 =	vperm.xlane v2, v29;
	v20 =	vmul.f32 v20, v28  }
0x10f: {  	[tilespmem:s21+$0xFFFFFF80] =	vst v25;
	v23 =	vperm.xlane v2, v21;
	v22 =	vmul.f32 v22, v10;
	v25 =	vmax.f32 v14, $0.0e+00  }
0x110: {  	s22 =	simm.s32 $0x0;
	s20 =	simm.s32 $0xF600;
	s12 =	simm.s32 $0x3300;
	v21 =	vperm.xlane v3, v21;
	[tilespmem:s21+$0x40] =	vst v62;
	v10 =	vperm.xlane v2, v11;
	v25 =	vmin.f32 v25, $5.999999520e+00  }
.LBB2_9:
0x111: {  	v27 =	vld [tilespmem:s12+$0xFFFFFF90];
	s22 =	sadd.s32 $0x100, s22;
	v8 =	vadd.f32 v22, v8;
	v22 =	vcvt.f32.s32 v24;
	v9 =	vmul.f32 v17, v9;
	s21 =	sadd.s32 $0x100, s21  }
0x112: {  	v19 =	vperm.xlane v3, v19;
	v17 =	vld [tilespmem:s12+$0x70];
	p2 =	slt.u32 s22, $0x3000;
	v6 =	vmul.f32 v26, v6  }
0x113: {  	v7 =	vmul.f32 v23, v7;
	v24 =	vld [tilespmem:s12+$0x40];
	[tilespmem:s20+$0xFFFFFF90] =	vst v8;
	v8 =	vadd.f32 v9, v15;
	v9 =	vtrunc.f32 v25  }
0x114: {  	v16 =	vperm.xlane v3, v16;
	v12 =	vmul.f32 v10, v12;
	v19 =	vadd.f32 v20, v19;
	v15 =	vld [tilespmem:s12+$0x60]  }
0x115: {  	v22 =	vand.u32 $0xF, v22;
	v7 =	vadd.f32 v7, v21;
	v9 =	vcvt.f32.s32 v9;
	v20 =	vld [tilespmem:s12+$0x50]  }
0x116: {  	v5 =	vmul.f32 v18, v5;
	v6 =	vadd.f32 v6, v13;
	v10 =	vmul.f32 $1.111111160e+00, v27;
	v21 =	vld [tilespmem:s12+$0x30];
	[tilespmem:s20+$0xFFFFFFF0] =	vst v8  }
0x117: {  	v11 =	vperm.xlane v3, v11;
	v8 =	vld [tilespmem:s12+$0xFFFFFF80];
	v17 =	vmul.f32 $1.111111160e+00, v17;
	[tilespmem:s20+$0xFFFFFFE0] =	vst v7;
	v7 =	vand.u32 $0xF, v9  }
0x118: {  	v5 =	vadd.f32 v5, v16;
	v16 =	vperm.xlane v3, v22;
	v10 =	vadd.f32 $3.000000000e+00, v10;
	v9 =	vld [tilespmem:s12+$0x0];
	[tilespmem:s20+$0x20] =	vst v19  }
0x119: {  	v11 =	vadd.f32 v12, v11;
	v18 =	vld [tilespmem:s12+$0x20];
	v13 =	vmul.f32 $1.111111160e+00, v15;
	[tilespmem:s20+$0xFFFFFFA0] =	vst v6;
	v6 =	vperm.xlane v2, v22  }
0x11a: {  	v12 =	vmax.f32 v10, $0.0e+00;
	v15 =	vld [tilespmem:s12+$0xFFFFFFB0];
	v19 =	vmul.f32 $1.111111160e+00, v20;
	[tilespmem:s20+$0xFFFFFFB0] =	vst v5;
	v5 =	vperm.xlane v3, v7  }
0x11b: {  	v7 =	vperm.xlane v2, v7;
	v20 =	vld [tilespmem:s12+$0xFFFFFFD0];
	v21 =	vmul.f32 $1.111111160e+00, v21;
	v13 =	vadd.f32 $3.000000000e+00, v13;
	[tilespmem:s20+$0xFFFFFFD0] =	vst v11  }
0x11c: {  	v23 =	vmul.f32 $1.111111160e+00, v24;
	v17 =	vadd.f32 $3.000000000e+00, v17;
	v12 =	vmin.f32 v12, $5.999999520e+00;
	v22 =	vld [tilespmem:s12+$0xFFFFFFA0]  }
0x11d: {  	v4 =	vmul.f32 v6, v4;
	v9 =	vmul.f32 $1.111111160e+00, v9;
	v11 =	vld [tilespmem:s12+$0x10];
	v24 =	vmax.f32 v13, $0.0e+00  }
0x11e: {  	v23 =	vadd.f32 $3.000000000e+00, v23;
	v12 =	vtrunc.f32 v12;
	v7 =	vmul.f32 v7, v14;
	v6 =	vld [tilespmem:s12+$0xFFFFFFC0]  }
0x11f: {  	v14 =	vmul.f32 $1.111111160e+00, v15;
	v15 =	vadd.f32 $3.000000000e+00, v19;
	v19 =	vmax.f32 v17, $0.0e+00  }
0x120: {  	v26 =	vmax.f32 v23, $0.0e+00;
	v4 =	vadd.f32 v4, v16;
	v20 =	vmul.f32 $1.111111160e+00, v20;
	v25 =	vld [tilespmem:s12+$0xFFFFFFE0]  }
0x121: {  	v16 =	vadd.f32 $3.000000000e+00, v21;
	v21 =	vmin.f32 v26, $5.999999520e+00;
	v26 =	vmax.f32 v15, $0.0e+00  }
0x122: {  	v21 =	vtrunc.f32 v21;
	v27 =	vld [tilespmem:s12+$0xFFFFFFF0];
	v26 =	vmin.f32 v26, $5.999999520e+00;
	[tilespmem:s20+$0xFFFFFFC0] =	vst v4;
	v4 =	vadd.f32 v7, v5  }
0x123: {  	v5 =	vadd.f32 $3.000000000e+00, v14;
	v7 =	vcvt.f32.s32 v21;
	v14 =	vtrunc.f32 v26  }
0x124: {  	v21 =	vadd.f32 $3.000000000e+00, v9;
	v6 =	vmul.f32 $1.111111160e+00, v6;
	v9 =	vcvt.f32.s32 v14;
	[tilespmem:s20+$0x10] =	vst v4;
	s20 =	smov.u32 s21  }
0x125: {  	v18 =	vmul.f32 $1.111111160e+00, v18;
	v14 =	vmul.f32 $1.111111160e+00, v25;
	v25 =	vmax.f32 v16, $0.0e+00  }
0x126: {  	v22 =	vmul.f32 $1.111111160e+00, v22;
	v26 =	vmax.f32 v5, $0.0e+00;
	v9 =	vand.u32 $0xF, v9  }
0x127: {  	v28 =	vand.u32 $0xF, v7;
	v4 =	vadd.f32 $3.000000000e+00, v6;
	v7 =	vperm.xlane v2, v9  }
0x128: {  	v6 =	vadd.f32 $3.000000000e+00, v22;
	v22 =	vmin.f32 v25, $5.999999520e+00;
	v25 =	vperm.xlane v2, v28  }
0x129: {  	v18 =	vadd.f32 $3.000000000e+00, v18;
	v9 =	vperm.xlane v3, v9;
	v7 =	vmul.f32 v7, v15  }
0x12a: {  	v29 =	vmax.f32 v21, $0.0e+00;
	v22 =	vtrunc.f32 v22;
	v15 =	vmax.f32 v6, $0.0e+00  }
0x12b: {  	v23 =	vmul.f32 v25, v23;
	v15 =	vmin.f32 v15, $5.999999520e+00;
	v9 =	vadd.f32 v7, v9  }
0x12c: {  	v25 =	vmul.f32 $1.111111160e+00, v8;
	v8 =	vcvt.f32.s32 v12;
	v12 =	vmin.f32 v29, $5.999999520e+00  }
0x12d: {  	v12 =	vtrunc.f32 v12;
	v15 =	vtrunc.f32 v15;
	v7 =	vadd.f32 $3.000000000e+00, v14;
	[tilespmem:s21+$0x50] =	vst v9  }
0x12e: {  	v22 =	vcvt.f32.s32 v22;
	v14 =	vand.u32 $0xF, v8;
	v9 =	vmul.f32 $1.111111160e+00, v27  }
0x12f: {  	v26 =	vmin.f32 v26, $5.999999520e+00;
	v8 =	vperm.xlane v3, v14;
	v27 =	vmax.f32 v18, $0.0e+00  }
0x130: {  	v19 =	vmin.f32 v19, $5.999999520e+00;
	v15 =	vcvt.f32.s32 v15;
	v9 =	vadd.f32 $3.000000000e+00, v9  }
0x131: {  	v19 =	vtrunc.f32 v19;
	v22 =	vand.u32 $0xF, v22;
	v27 =	vmin.f32 v27, $5.999999520e+00  }
0x132: {  	v24 =	vmin.f32 v24, $5.999999520e+00;
	v25 =	vadd.f32 $3.000000000e+00, v25;
	v29 =	vperm.xlane v3, v22  }
0x133: {  	v26 =	vtrunc.f32 v26;
	v30 =	vmax.f32 v4, $0.0e+00;
	v12 =	vcvt.f32.s32 v12  }
0x134: {  	v19 =	vcvt.f32.s32 v19;
	v31 =	vmax.f32 v25, $0.0e+00;
	v27 =	vtrunc.f32 v27  }
0x135: {  	v24 =	vtrunc.f32 v24;
	v22 =	vperm.xlane v2, v22;
	v12 =	vand.u32 $0xF, v12  }
0x136: {  	v19 =	vand.u32 $0xF, v19;
	v33 =	vperm.xlane v3, v12;
	v32 =	vmax.f32 v9, $0.0e+00  }
0x137: {  	v12 =	vperm.xlane v2, v12;
	v34 =	vand.u32 $0xF, v15;
	v15 =	vperm.xlane v2, v19  }
0x138: {  	v24 =	vcvt.f32.s32 v24;
	v31 =	vmin.f32 v31, $5.999999520e+00;
	v32 =	vmin.f32 v32, $5.999999520e+00  }
0x139: {  	v26 =	vcvt.f32.s32 v26;
	v35 =	vmax.f32 v7, $0.0e+00;
	v12 =	vmul.f32 v12, v21  }
0x13a: {  	v19 =	vperm.xlane v3, v19;
	v21 =	vand.u32 $0xF, v24;
	v15 =	vmul.f32 v15, v17  }
0x13b: {  	v17 =	vtrunc.f32 v31;
	v31 =	vperm.xlane v2, v21;
	v24 =	vadd.f32 v12, v33  }
0x13c: {  	v17 =	vcvt.f32.s32 v17;
	v15 =	vadd.f32 v15, v19;
	v32 =	vtrunc.f32 v32  }
0x13d: {  	v12 =	vadd.f32 $3.000000000e+00, v20;
	v19 =	vperm.xlane v3, v21;
	v13 =	vmul.f32 v31, v13;
	[tilespmem:s21+$0x0] =	vst v24  }
0x13e: {  	v21 =	vmul.f32 v22, v16;
	v17 =	vand.u32 $0xF, v17;
	v20 =	vcvt.f32.s32 v32;
	[tilespmem:s21+$0x70] =	vst v15  }
0x13f: {  	v16 =	vperm.xlane v3, v17;
	v19 =	vadd.f32 v13, v19;
	v15 =	vperm.xlane v2, v17  }
0x140: {  	v13 =	vperm.xlane v3, v34;
	v20 =	vand.u32 $0xF, v20;
	v17 =	vmax.f32 v12, $0.0e+00  }
0x141: {  	v24 =	vmin.f32 v17, $5.999999520e+00;
	v17 =	vperm.xlane v2, v20;
	v22 =	vmul.f32 v15, v25;
	[tilespmem:s21+$0x60] =	vst v19  }
0x142: {  	v15 =	vperm.xlane v3, v20;
	v20 =	vcvt.f32.s32 v27;
	v19 =	vmin.f32 v35, $5.999999520e+00  }
0x143: {  	v24 =	vtrunc.f32 v24;
	v22 =	vadd.f32 v22, v16;
	v16 =	vand.u32 $0xF, v26  }
0x144: {  	v25 =	vtrunc.f32 v19;
	v19 =	vand.u32 $0xF, v20;
	v20 =	vperm.xlane v3, v28  }
0x145: {  	v26 =	vmin.f32 v30, $5.999999520e+00;
	v25 =	vcvt.f32.s32 v25;
	[tilespmem:s21+$0xFFFFFF80] =	vst v22;
	v22 =	vperm.xlane v2, v19  }
0x146: {  	v27 =	vmul.f32 $1.111111160e+00, v11;
	v24 =	vcvt.f32.s32 v24;
	v23 =	vadd.f32 v23, v20  }
.Ltmp6:
0x147: {  	v21 =	vadd.f32 v21, v29;
	v28 =	vperm.xlane v2, v14;
	v20 =	vmul.f32 v22, v18;
	(pc) =	sbr.rel @p2 .LBB2_9-.Ltmp6, $4  }
0x148: {  	v14 =	vadd.f32 $3.000000000e+00, v27;
	v11 =	vand.u32 $0xF, v24;
	v18 =	vperm.xlane v2, v16;
	[tilespmem:s21+$0x40] =	vst v23  }
0x149: {  	v24 =	vtrunc.f32 v26;
	v25 =	vand.u32 $0xF, v25;
	v22 =	vmul.f32 v28, v10;
	[tilespmem:s21+$0x30] =	vst v21  }
0x14a: {  	v27 =	vmax.f32 v14, $0.0e+00;
	v10 =	vperm.xlane v2, v11;
	v23 =	vperm.xlane v2, v25  }
0x14b: {  	s12 =	sadd.s32 $0x100, s12;
	v26 =	vperm.xlane v2, v34;
	v21 =	vperm.xlane v3, v25;
	v25 =	vmin.f32 v27, $5.999999520e+00  }
0x14c: {  	v24 =	vcvt.f32.s32 v24  }
0x14d: {  	v9 =	vmul.f32 v17, v9;
	v53 =	vperm.xlane v3, v19  }
0x14e: {  	v7 =	vmul.f32 v23, v7;
	v54 =	vtrunc.f32 v25  }
0x14f: {  	v8 =	vadd.f32 v22, v8;
	v16 =	vperm.xlane v3, v16;
	v10 =	vmul.f32 v10, v12  }
0x150: {  	v5 =	vmul.f32 v18, v5;
	v55 =	vcvt.f32.s32 v54;
	v9 =	vadd.f32 v9, v15  }
0x151: {  	v11 =	vperm.xlane v3, v11;
	[tilespmem:s20+$0xFFFFFF90] =	vst v8;
	v57 =	vand.u32 $0xF, v24;
	v7 =	vadd.f32 v7, v21  }
0x152: {  	v56 =	vadd.f32 v20, v53;
	v58 =	vand.u32 $0xF, v55;
	v59 =	vperm.xlane v2, v57;
	[tilespmem:s20+$0xFFFFFFF0] =	vst v9  }
0x153: {  	v6 =	vmul.f32 v26, v6;
	v5 =	vadd.f32 v5, v16;
	[tilespmem:s20+$0xFFFFFFE0] =	vst v7;
	v60 =	vperm.xlane v2, v58  }
0x154: {  	v62 =	vadd.f32 v10, v11;
	v61 =	vperm.xlane v3, v57;
	[tilespmem:s20+$0x20] =	vst v56;
	v4 =	vmul.f32 v59, v4  }
0x155: {  	v6 =	vadd.f32 v6, v13;
	v63 =	vperm.xlane v3, v58;
	[tilespmem:s20+$0xFFFFFFB0] =	vst v5;
	v7 =	vmul.f32 v60, v14  }
.Ltmp7:
0x156: {  	s12 =	sadd.s32 s19, s13;
	[tilespmem:s20+$0xFFFFFFD0] =	vst v62;
	v4 =	vadd.f32 v4, v61;
	(pc) =	sbr.rel @p1 .LBB2_12-.Ltmp7, $4  }
0x157: {  	s12 =	smul.u32 $0x620, s12;
	[tilespmem:s20+$0xFFFFFFA0] =	vst v6;
	v5 =	vadd.f32 v7, v63  }
0x158: {  	[tilespmem:s20+$0xFFFFFFC0] =	vst v4  }
0x159: {  	s12 =	sadd.s32 s3, s12;
	[tilespmem:s20+$0x10] =	vst v5  }
0x15a: {  	[hbm4b:s12+s4] =	stream.linear.scatter [tilespmem:s30], [sflag:$0x6], $0x3100, $0x38;
	[tilespmem:$0x18880] =	vst v63  }
.Ltmp8:
0x15b: {  	(pc) =	sbr.rel .LBB2_13-.Ltmp8, $4  }
0x15c: {  	_ = 	snop  }
0x15d: {  	_ =	swait.ge [sflag:s31], $0x3100  }
0x15e: {  	[sflag:s31] =	ssyncset.done $0x0  }
0x15f: {  	[sflag:s31] =	ssyncadd.s32 $0xFFFFCF00  }
.LBB2_12:
0x160: {  	s12 =	sadd.s32 s19, s14  }
0x161: {  	s12 =	smul.u32 $0x620, s12;
	_ =	sdelay $0x1  }
.Ltmp9:
0x162: {  	s20 =	simm.s32 $0x3180;
	s12 =	sadd.s32 s1, s12;
	(pc) =	sbr.rel @p0 .LBB2_14-.Ltmp9, $4  }
0x163: {  	[tilespmem:s20], [sflag:$0x2] =	stream.linear.gather [hbm4b:s12+s4], $0x3100, $0x38;
	[tilespmem:$0x18880] =	vst v63  }
0x164: {  	_ =	swait.ge [sflag:s31], $0x3100  }
0x165: {  	[sflag:s31] =	ssyncset.done $0x0  }
0x166: {  	[sflag:s31] =	ssyncadd.s32 $0xFFFFCF00  }
.LBB2_13:
0x167: {  	_ =	swait.ge [sflag:s2], $0x3100  }
0x168: {  	[sflag:s2] =	ssyncset.done $0x0  }
0x169: {  	[sflag:s2] =	ssyncadd.s32 $0xFFFFCF00  }
.LBB2_14:
0x16a: {  	s12 =	simm.s32 $0x6300  }
0x16b: {  	v4 =	vld [tilespmem:s12+$0xFFFFFF90]  }
0x16c: {  	v5 =	vld [tilespmem:s12+$0x70]  }
0x16d: {  	v6 =	vld [tilespmem:s12+$0x40]  }
0x16e: {  	v7 =	vld [tilespmem:s12+$0x60]  }
0x16f: {  	v8 =	vld [tilespmem:s12+$0x50]  }
0x170: {  	v9 =	vld [tilespmem:s12+$0x30]  }
0x171: {  	v13 =	vld [tilespmem:s12+$0xFFFFFFD0]  }
0x172: {  	v20 =	vld [tilespmem:s12+$0xFFFFFFA0];
	_ =	sdelay $0x1  }
0x173: {  	v11 =	vld [tilespmem:s12+$0x0];
	v4 =	vmul.f32 $1.111111160e+00, v4;
	v8 =	vmul.f32 $1.111111160e+00, v8  }
0x174: {  	v6 =	vmul.f32 $1.111111160e+00, v6;
	v9 =	vmul.f32 $1.111111160e+00, v9  }
0x175: {  	v10 =	vadd.f32 $3.000000000e+00, v4;
	v4 =	vmul.f32 $1.111111160e+00, v5;
	v5 =	vmul.f32 $1.111111160e+00, v7  }
0x176: {  	v13 =	vmul.f32 $1.111111160e+00, v13;
	v20 =	vmul.f32 $1.111111160e+00, v20;
	v7 =	vld [tilespmem:s12+$0xFFFFFFB0];
	v8 =	vadd.f32 $3.000000000e+00, v8  }
0x177: {  	v22 =	vadd.f32 $3.000000000e+00, v9;
	v12 =	vmax.f32 v10, $0.0e+00;
	v14 =	vadd.f32 $3.000000000e+00, v5  }
0x178: {  	v15 =	vadd.f32 $3.000000000e+00, v4;
	v4 =	vmul.f32 $1.111111160e+00, v11;
	v11 =	vadd.f32 $3.000000000e+00, v6  }
0x179: {  	v6 =	vld [tilespmem:s12+$0xFFFFFFC0];
	v21 =	vmax.f32 v8, $0.0e+00;
	v5 =	vmin.f32 v12, $5.999999520e+00;
	v16 =	vmax.f32 v14, $0.0e+00  }
0x17a: {  	v12 =	vld [tilespmem:s12+$0x20];
	v17 =	vtrunc.f32 v5;
	v18 =	vmax.f32 v15, $0.0e+00;
	v19 =	vmax.f32 v11, $0.0e+00  }
0x17b: {  	v5 =	vmul.f32 $1.111111160e+00, v7;
	v19 =	vmin.f32 v19, $5.999999520e+00;
	v18 =	vmin.f32 v18, $5.999999520e+00  }
0x17c: {  	v7 =	vld [tilespmem:s12+$0xFFFFFFE0];
	v9 =	vtrunc.f32 v19;
	v19 =	vmin.f32 v21, $5.999999520e+00;
	v18 =	vtrunc.f32 v18  }
0x17d: {  	v21 =	vadd.f32 $3.000000000e+00, v4;
	v9 =	vcvt.f32.s32 v9;
	v19 =	vtrunc.f32 v19  }
0x17e: {  	v5 =	vadd.f32 $3.000000000e+00, v5;
	v6 =	vmul.f32 $1.111111160e+00, v6;
	v18 =	vcvt.f32.s32 v18  }
0x17f: {  	v4 =	vcvt.f32.s32 v19;
	v12 =	vmul.f32 $1.111111160e+00, v12;
	v19 =	vmax.f32 v22, $0.0e+00  }
0x180: {  	v23 =	vmax.f32 v5, $0.0e+00;
	v26 =	vand.u32 $0xF, v9;
	v19 =	vmin.f32 v19, $5.999999520e+00  }
0x181: {  	v18 =	vand.u32 $0xF, v18;
	v7 =	vmul.f32 $1.111111160e+00, v7;
	v24 =	vand.u32 $0xF, v4  }
0x182: {  	v4 =	vadd.f32 $3.000000000e+00, v6;
	v6 =	vadd.f32 $3.000000000e+00, v20;
	v20 =	vperm.xlane v2, v26  }
0x183: {  	v28 =	vadd.f32 $3.000000000e+00, v12;
	v19 =	vtrunc.f32 v19;
	v34 =	vperm.xlane v2, v18  }
0x184: {  	v25 =	vld [tilespmem:s12+$0xFFFFFF80];
	v23 =	vmin.f32 v23, $5.999999520e+00;
	v9 =	vperm.xlane v2, v24;
	v12 =	vperm.xlane v3, v24  }
0x185: {  	v27 =	vld [tilespmem:s12+$0xFFFFFFF0];
	v24 =	vmax.f32 v21, $0.0e+00;
	v19 =	vcvt.f32.s32 v19;
	v11 =	vmul.f32 v20, v11  }
0x186: {  	v7 =	vadd.f32 $3.000000000e+00, v7;
	v8 =	vmul.f32 v9, v8;
	v9 =	vmax.f32 v6, $0.0e+00  }
0x187: {  	v15 =	vmul.f32 v34, v15;
	v19 =	vand.u32 $0xF, v19;
	v9 =	vmin.f32 v9, $5.999999520e+00  }
0x188: {  	v30 =	vperm.xlane v3, v19;
	v19 =	vperm.xlane v2, v19;
	v20 =	vadd.f32 v8, v12  }
0x189: {  	v12 =	vmul.f32 $1.111111160e+00, v25;
	v8 =	vcvt.f32.s32 v17;
	v17 =	vmin.f32 v24, $5.999999520e+00  }
0x18a: {  	v9 =	vtrunc.f32 v9;
	v25 =	vmul.f32 $1.111111160e+00, v27;
	v27 =	vmax.f32 v28, $0.0e+00  }
0x18b: {  	v17 =	vtrunc.f32 v17;
	v29 =	vcvt.f32.s32 v9;
	v24 =	vand.u32 $0xF, v8  }
0x18c: {  	v9 =	vadd.f32 $3.000000000e+00, v25;
	v25 =	vmin.f32 v27, $5.999999520e+00;
	v27 =	vadd.f32 $3.000000000e+00, v12  }
0x18d: {  	v12 =	vmin.f32 v16, $5.999999520e+00;
	v16 =	vtrunc.f32 v23;
	v17 =	vcvt.f32.s32 v17  }
0x18e: {  	v35 =	vmax.f32 v7, $0.0e+00;
	v8 =	vperm.xlane v3, v24;
	v25 =	vtrunc.f32 v25  }
0x18f: {  	v12 =	vtrunc.f32 v12;
	v16 =	vcvt.f32.s32 v16;
	v17 =	vand.u32 $0xF, v17  }
0x190: {  	v61 =	vmin.f32 v35, $5.999999520e+00;
	v33 =	vperm.xlane v3, v17;
	v17 =	vperm.xlane v2, v17  }
0x191: {  	v31 =	vmax.f32 v27, $0.0e+00;
	v32 =	vmax.f32 v9, $0.0e+00;
	v12 =	vcvt.f32.s32 v12  }
0x192: {  	v31 =	vmin.f32 v31, $5.999999520e+00;
	v32 =	vmin.f32 v32, $5.999999520e+00;
	v17 =	vmul.f32 v17, v21  }
0x193: {  	v21 =	vand.u32 $0xF, v12;
	v12 =	vperm.xlane v3, v18;
	v18 =	vtrunc.f32 v31  }
0x194: {  	v32 =	vtrunc.f32 v32;
	v18 =	vcvt.f32.s32 v18;
	v58 =	vadd.f32 v17, v33  }
0x195: {  	v17 =	vperm.xlane v2, v21;
	v59 =	vadd.f32 v15, v12;
	v12 =	vadd.f32 $3.000000000e+00, v13  }
0x196: {  	v13 =	vperm.xlane v3, v21;
	v15 =	vand.u32 $0xF, v18;
	v18 =	vmul.f32 v19, v22  }
0x197: {  	v23 =	vmax.f32 v4, $0.0e+00;
	v14 =	vmul.f32 v17, v14;
	v17 =	vcvt.f32.s32 v32  }
0x198: {  	v19 =	vperm.xlane v3, v15;
	v15 =	vperm.xlane v2, v15;
	v21 =	vmax.f32 v12, $0.0e+00  }
0x199: {  	v16 =	vand.u32 $0xF, v16;
	v21 =	vmin.f32 v21, $5.999999520e+00;
	v63 =	vadd.f32 v18, v30  }
0x19a: {  	v60 =	vld [tilespmem:s12+$0x10];
	v18 =	vperm.xlane v2, v16;
	v22 =	vand.u32 $0xF, v17;
	v27 =	vmul.f32 v15, v27  }
0x19b: {  	v29 =	vand.u32 $0xF, v29;
	v21 =	vtrunc.f32 v21;
	v17 =	vperm.xlane v2, v22  }
0x19c: {  	v14 =	vadd.f32 v14, v13;
	v15 =	vperm.xlane v3, v22;
	v22 =	vcvt.f32.s32 v25  }
0x19d: {  	s21 =	simm.s32 $0x12700;
	v13 =	vperm.xlane v3, v29;
	v21 =	vcvt.f32.s32 v21;
	v25 =	vadd.f32 v27, v19  }
0x19e: {  	[tilespmem:s21+$0x50] =	vst v20;
	v27 =	vtrunc.f32 v61;
	v19 =	vand.u32 $0xF, v22;
	v22 =	vperm.xlane v3, v26  }
0x19f: {  	v23 =	vmin.f32 v23, $5.999999520e+00;
	[tilespmem:s21+$0x0] =	vst v58;
	v26 =	vcvt.f32.s32 v27;
	v27 =	vmul.f32 $1.111111160e+00, v60  }
0x1a0: {  	[tilespmem:s21+$0x70] =	vst v59;
	v20 =	vperm.xlane v2, v19;
	v62 =	vadd.f32 v11, v22;
	v22 =	vperm.xlane v2, v24  }
0x1a1: {  	[tilespmem:s21+$0x60] =	vst v14;
	v11 =	vand.u32 $0xF, v21;
	v14 =	vadd.f32 $3.000000000e+00, v27;
	v24 =	vtrunc.f32 v23  }
0x1a2: {  	[tilespmem:s21+$0x30] =	vst v63;
	v21 =	vand.u32 $0xF, v26;
	v26 =	vperm.xlane v2, v29;
	v20 =	vmul.f32 v20, v28  }
0x1a3: {  	[tilespmem:s21+$0xFFFFFF80] =	vst v25;
	v23 =	vperm.xlane v2, v21;
	v22 =	vmul.f32 v22, v10;
	v25 =	vmax.f32 v14, $0.0e+00  }
0x1a4: {  	s22 =	simm.s32 $0x0;
	s20 =	simm.s32 $0x12700;
	s12 =	simm.s32 $0x6400;
	v21 =	vperm.xlane v3, v21;
	[tilespmem:s21+$0x40] =	vst v62;
	v10 =	vperm.xlane v2, v11;
	v25 =	vmin.f32 v25, $5.999999520e+00  }
.LBB2_15:
0x1a5: {  	v27 =	vld [tilespmem:s12+$0xFFFFFF90];
	s22 =	sadd.s32 $0x100, s22;
	v8 =	vadd.f32 v22, v8;
	v22 =	vcvt.f32.s32 v24;
	v9 =	vmul.f32 v17, v9;
	s21 =	sadd.s32 $0x100, s21  }
0x1a6: {  	v19 =	vperm.xlane v3, v19;
	v17 =	vld [tilespmem:s12+$0x70];
	p2 =	slt.u32 s22, $0x3000;
	v6 =	vmul.f32 v26, v6  }
0x1a7: {  	v7 =	vmul.f32 v23, v7;
	v24 =	vld [tilespmem:s12+$0x40];
	[tilespmem:s20+$0xFFFFFF90] =	vst v8;
	v8 =	vadd.f32 v9, v15;
	v9 =	vtrunc.f32 v25  }
0x1a8: {  	v16 =	vperm.xlane v3, v16;
	v12 =	vmul.f32 v10, v12;
	v19 =	vadd.f32 v20, v19;
	v15 =	vld [tilespmem:s12+$0x60]  }
0x1a9: {  	v22 =	vand.u32 $0xF, v22;
	v7 =	vadd.f32 v7, v21;
	v9 =	vcvt.f32.s32 v9;
	v20 =	vld [tilespmem:s12+$0x50]  }
0x1aa: {  	v5 =	vmul.f32 v18, v5;
	v6 =	vadd.f32 v6, v13;
	v10 =	vmul.f32 $1.111111160e+00, v27;
	v21 =	vld [tilespmem:s12+$0x30];
	[tilespmem:s20+$0xFFFFFFF0] =	vst v8  }
0x1ab: {  	v11 =	vperm.xlane v3, v11;
	v8 =	vld [tilespmem:s12+$0xFFFFFF80];
	v17 =	vmul.f32 $1.111111160e+00, v17;
	[tilespmem:s20+$0xFFFFFFE0] =	vst v7;
	v7 =	vand.u32 $0xF, v9  }
0x1ac: {  	v5 =	vadd.f32 v5, v16;
	v16 =	vperm.xlane v3, v22;
	v10 =	vadd.f32 $3.000000000e+00, v10;
	v9 =	vld [tilespmem:s12+$0x0];
	[tilespmem:s20+$0x20] =	vst v19  }
0x1ad: {  	v11 =	vadd.f32 v12, v11;
	v18 =	vld [tilespmem:s12+$0x20];
	v13 =	vmul.f32 $1.111111160e+00, v15;
	[tilespmem:s20+$0xFFFFFFA0] =	vst v6;
	v6 =	vperm.xlane v2, v22  }
0x1ae: {  	v12 =	vmax.f32 v10, $0.0e+00;
	v15 =	vld [tilespmem:s12+$0xFFFFFFB0];
	v19 =	vmul.f32 $1.111111160e+00, v20;
	[tilespmem:s20+$0xFFFFFFB0] =	vst v5;
	v5 =	vperm.xlane v3, v7  }
0x1af: {  	v7 =	vperm.xlane v2, v7;
	v20 =	vld [tilespmem:s12+$0xFFFFFFD0];
	v21 =	vmul.f32 $1.111111160e+00, v21;
	v13 =	vadd.f32 $3.000000000e+00, v13;
	[tilespmem:s20+$0xFFFFFFD0] =	vst v11  }
0x1b0: {  	v23 =	vmul.f32 $1.111111160e+00, v24;
	v17 =	vadd.f32 $3.000000000e+00, v17;
	v12 =	vmin.f32 v12, $5.999999520e+00;
	v22 =	vld [tilespmem:s12+$0xFFFFFFA0]  }
0x1b1: {  	v4 =	vmul.f32 v6, v4;
	v9 =	vmul.f32 $1.111111160e+00, v9;
	v11 =	vld [tilespmem:s12+$0x10];
	v24 =	vmax.f32 v13, $0.0e+00  }
0x1b2: {  	v23 =	vadd.f32 $3.000000000e+00, v23;
	v12 =	vtrunc.f32 v12;
	v7 =	vmul.f32 v7, v14;
	v6 =	vld [tilespmem:s12+$0xFFFFFFC0]  }
0x1b3: {  	v14 =	vmul.f32 $1.111111160e+00, v15;
	v15 =	vadd.f32 $3.000000000e+00, v19;
	v19 =	vmax.f32 v17, $0.0e+00  }
0x1b4: {  	v26 =	vmax.f32 v23, $0.0e+00;
	v4 =	vadd.f32 v4, v16;
	v20 =	vmul.f32 $1.111111160e+00, v20;
	v25 =	vld [tilespmem:s12+$0xFFFFFFE0]  }
0x1b5: {  	v16 =	vadd.f32 $3.000000000e+00, v21;
	v21 =	vmin.f32 v26, $5.999999520e+00;
	v26 =	vmax.f32 v15, $0.0e+00  }
0x1b6: {  	v21 =	vtrunc.f32 v21;
	v27 =	vld [tilespmem:s12+$0xFFFFFFF0];
	v26 =	vmin.f32 v26, $5.999999520e+00;
	[tilespmem:s20+$0xFFFFFFC0] =	vst v4;
	v4 =	vadd.f32 v7, v5  }
0x1b7: {  	v5 =	vadd.f32 $3.000000000e+00, v14;
	v7 =	vcvt.f32.s32 v21;
	v14 =	vtrunc.f32 v26  }
0x1b8: {  	v21 =	vadd.f32 $3.000000000e+00, v9;
	v6 =	vmul.f32 $1.111111160e+00, v6;
	v9 =	vcvt.f32.s32 v14;
	[tilespmem:s20+$0x10] =	vst v4;
	s20 =	smov.u32 s21  }
0x1b9: {  	v18 =	vmul.f32 $1.111111160e+00, v18;
	v14 =	vmul.f32 $1.111111160e+00, v25;
	v25 =	vmax.f32 v16, $0.0e+00  }
0x1ba: {  	v22 =	vmul.f32 $1.111111160e+00, v22;
	v26 =	vmax.f32 v5, $0.0e+00;
	v9 =	vand.u32 $0xF, v9  }
0x1bb: {  	v28 =	vand.u32 $0xF, v7;
	v4 =	vadd.f32 $3.000000000e+00, v6;
	v7 =	vperm.xlane v2, v9  }
0x1bc: {  	v6 =	vadd.f32 $3.000000000e+00, v22;
	v22 =	vmin.f32 v25, $5.999999520e+00;
	v25 =	vperm.xlane v2, v28  }
0x1bd: {  	v18 =	vadd.f32 $3.000000000e+00, v18;
	v9 =	vperm.xlane v3, v9;
	v7 =	vmul.f32 v7, v15  }
0x1be: {  	v29 =	vmax.f32 v21, $0.0e+00;
	v22 =	vtrunc.f32 v22;
	v15 =	vmax.f32 v6, $0.0e+00  }
0x1bf: {  	v23 =	vmul.f32 v25, v23;
	v15 =	vmin.f32 v15, $5.999999520e+00;
	v9 =	vadd.f32 v7, v9  }
0x1c0: {  	v25 =	vmul.f32 $1.111111160e+00, v8;
	v8 =	vcvt.f32.s32 v12;
	v12 =	vmin.f32 v29, $5.999999520e+00  }
0x1c1: {  	v12 =	vtrunc.f32 v12;
	v15 =	vtrunc.f32 v15;
	v7 =	vadd.f32 $3.000000000e+00, v14;
	[tilespmem:s21+$0x50] =	vst v9  }
0x1c2: {  	v22 =	vcvt.f32.s32 v22;
	v14 =	vand.u32 $0xF, v8;
	v9 =	vmul.f32 $1.111111160e+00, v27  }
0x1c3: {  	v26 =	vmin.f32 v26, $5.999999520e+00;
	v8 =	vperm.xlane v3, v14;
	v27 =	vmax.f32 v18, $0.0e+00  }
0x1c4: {  	v19 =	vmin.f32 v19, $5.999999520e+00;
	v15 =	vcvt.f32.s32 v15;
	v9 =	vadd.f32 $3.000000000e+00, v9  }
0x1c5: {  	v19 =	vtrunc.f32 v19;
	v22 =	vand.u32 $0xF, v22;
	v27 =	vmin.f32 v27, $5.999999520e+00  }
0x1c6: {  	v24 =	vmin.f32 v24, $5.999999520e+00;
	v25 =	vadd.f32 $3.000000000e+00, v25;
	v29 =	vperm.xlane v3, v22  }
0x1c7: {  	v26 =	vtrunc.f32 v26;
	v30 =	vmax.f32 v4, $0.0e+00;
	v12 =	vcvt.f32.s32 v12  }
0x1c8: {  	v19 =	vcvt.f32.s32 v19;
	v31 =	vmax.f32 v25, $0.0e+00;
	v27 =	vtrunc.f32 v27  }
0x1c9: {  	v24 =	vtrunc.f32 v24;
	v22 =	vperm.xlane v2, v22;
	v12 =	vand.u32 $0xF, v12  }
0x1ca: {  	v19 =	vand.u32 $0xF, v19;
	v33 =	vperm.xlane v3, v12;
	v32 =	vmax.f32 v9, $0.0e+00  }
0x1cb: {  	v12 =	vperm.xlane v2, v12;
	v34 =	vand.u32 $0xF, v15;
	v15 =	vperm.xlane v2, v19  }
0x1cc: {  	v24 =	vcvt.f32.s32 v24;
	v31 =	vmin.f32 v31, $5.999999520e+00;
	v32 =	vmin.f32 v32, $5.999999520e+00  }
0x1cd: {  	v26 =	vcvt.f32.s32 v26;
	v35 =	vmax.f32 v7, $0.0e+00;
	v12 =	vmul.f32 v12, v21  }
0x1ce: {  	v19 =	vperm.xlane v3, v19;
	v21 =	vand.u32 $0xF, v24;
	v15 =	vmul.f32 v15, v17  }
0x1cf: {  	v17 =	vtrunc.f32 v31;
	v31 =	vperm.xlane v2, v21;
	v24 =	vadd.f32 v12, v33  }
0x1d0: {  	v17 =	vcvt.f32.s32 v17;
	v15 =	vadd.f32 v15, v19;
	v32 =	vtrunc.f32 v32  }
0x1d1: {  	v12 =	vadd.f32 $3.000000000e+00, v20;
	v19 =	vperm.xlane v3, v21;
	v13 =	vmul.f32 v31, v13;
	[tilespmem:s21+$0x0] =	vst v24  }
0x1d2: {  	v21 =	vmul.f32 v22, v16;
	v17 =	vand.u32 $0xF, v17;
	v20 =	vcvt.f32.s32 v32;
	[tilespmem:s21+$0x70] =	vst v15  }
0x1d3: {  	v16 =	vperm.xlane v3, v17;
	v19 =	vadd.f32 v13, v19;
	v15 =	vperm.xlane v2, v17  }
0x1d4: {  	v13 =	vperm.xlane v3, v34;
	v20 =	vand.u32 $0xF, v20;
	v17 =	vmax.f32 v12, $0.0e+00  }
0x1d5: {  	v24 =	vmin.f32 v17, $5.999999520e+00;
	v17 =	vperm.xlane v2, v20;
	v22 =	vmul.f32 v15, v25;
	[tilespmem:s21+$0x60] =	vst v19  }
0x1d6: {  	v15 =	vperm.xlane v3, v20;
	v20 =	vcvt.f32.s32 v27;
	v19 =	vmin.f32 v35, $5.999999520e+00  }
0x1d7: {  	v24 =	vtrunc.f32 v24;
	v22 =	vadd.f32 v22, v16;
	v16 =	vand.u32 $0xF, v26  }
0x1d8: {  	v25 =	vtrunc.f32 v19;
	v19 =	vand.u32 $0xF, v20;
	v20 =	vperm.xlane v3, v28  }
0x1d9: {  	v26 =	vmin.f32 v30, $5.999999520e+00;
	v25 =	vcvt.f32.s32 v25;
	[tilespmem:s21+$0xFFFFFF80] =	vst v22;
	v22 =	vperm.xlane v2, v19  }
0x1da: {  	v27 =	vmul.f32 $1.111111160e+00, v11;
	v24 =	vcvt.f32.s32 v24;
	v23 =	vadd.f32 v23, v20  }
.Ltmp10:
0x1db: {  	v21 =	vadd.f32 v21, v29;
	v28 =	vperm.xlane v2, v14;
	v20 =	vmul.f32 v22, v18;
	(pc) =	sbr.rel @p2 .LBB2_15-.Ltmp10, $4  }
0x1dc: {  	v14 =	vadd.f32 $3.000000000e+00, v27;
	v11 =	vand.u32 $0xF, v24;
	v18 =	vperm.xlane v2, v16;
	[tilespmem:s21+$0x40] =	vst v23  }
0x1dd: {  	v24 =	vtrunc.f32 v26;
	v25 =	vand.u32 $0xF, v25;
	v22 =	vmul.f32 v28, v10;
	[tilespmem:s21+$0x30] =	vst v21  }
0x1de: {  	v27 =	vmax.f32 v14, $0.0e+00;
	v10 =	vperm.xlane v2, v11;
	v23 =	vperm.xlane v2, v25  }
0x1df: {  	s12 =	sadd.s32 $0x100, s12;
	v26 =	vperm.xlane v2, v34;
	v21 =	vperm.xlane v3, v25;
	v25 =	vmin.f32 v27, $5.999999520e+00  }
0x1e0: {  	v24 =	vcvt.f32.s32 v24  }
0x1e1: {  	v9 =	vmul.f32 v17, v9;
	v53 =	vperm.xlane v3, v19  }
0x1e2: {  	v7 =	vmul.f32 v23, v7;
	v54 =	vtrunc.f32 v25  }
0x1e3: {  	v8 =	vadd.f32 v22, v8;
	v16 =	vperm.xlane v3, v16;
	v10 =	vmul.f32 v10, v12  }
0x1e4: {  	v5 =	vmul.f32 v18, v5;
	v55 =	vcvt.f32.s32 v54;
	v9 =	vadd.f32 v9, v15  }
0x1e5: {  	v11 =	vperm.xlane v3, v11;
	[tilespmem:s20+$0xFFFFFF90] =	vst v8;
	v57 =	vand.u32 $0xF, v24;
	v7 =	vadd.f32 v7, v21  }
0x1e6: {  	v56 =	vadd.f32 v20, v53;
	v58 =	vand.u32 $0xF, v55;
	v59 =	vperm.xlane v2, v57;
	[tilespmem:s20+$0xFFFFFFF0] =	vst v9  }
0x1e7: {  	v6 =	vmul.f32 v26, v6;
	v5 =	vadd.f32 v5, v16;
	[tilespmem:s20+$0xFFFFFFE0] =	vst v7;
	v60 =	vperm.xlane v2, v58  }
0x1e8: {  	v62 =	vadd.f32 v10, v11;
	v61 =	vperm.xlane v3, v57;
	[tilespmem:s20+$0x20] =	vst v56;
	v4 =	vmul.f32 v59, v4  }
0x1e9: {  	v6 =	vadd.f32 v6, v13;
	v63 =	vperm.xlane v3, v58;
	[tilespmem:s20+$0xFFFFFFB0] =	vst v5;
	v7 =	vmul.f32 v60, v14  }
.Ltmp11:
0x1ea: {  	s12 =	sadd.s32 s19, s15;
	[tilespmem:s20+$0xFFFFFFD0] =	vst v62;
	v4 =	vadd.f32 v4, v61;
	(pc) =	sbr.rel @p1 .LBB2_18-.Ltmp11, $4  }
0x1eb: {  	s12 =	smul.u32 $0x620, s12;
	[tilespmem:s20+$0xFFFFFFA0] =	vst v6;
	v5 =	vadd.f32 v7, v63  }
0x1ec: {  	[tilespmem:s20+$0xFFFFFFC0] =	vst v4  }
0x1ed: {  	s12 =	sadd.s32 s3, s12;
	[tilespmem:s20+$0x10] =	vst v5  }
0x1ee: {  	[hbm4b:s12+s4] =	stream.linear.scatter [tilespmem:s0], [sflag:$0x7], $0x3100, $0x38;
	[tilespmem:$0x18880] =	vst v63  }
.Ltmp12:
0x1ef: {  	(pc) =	sbr.rel .LBB2_19-.Ltmp12, $4  }
0x1f0: {  	_ = 	snop  }
0x1f1: {  	_ =	swait.ge [sflag:s7], $0x3100  }
0x1f2: {  	[sflag:s7] =	ssyncset.done $0x0  }
0x1f3: {  	[sflag:s7] =	ssyncadd.s32 $0xFFFFCF00  }
.LBB2_18:
0x1f4: {  	s12 =	sadd.s32 s19, s16  }
0x1f5: {  	s12 =	smul.u32 $0x620, s12;
	_ =	sdelay $0x1  }
.Ltmp13:
0x1f6: {  	s20 =	simm.s32 $0x6280;
	s12 =	sadd.s32 s1, s12;
	(pc) =	sbr.rel @p0 .LBB2_20-.Ltmp13, $4  }
0x1f7: {  	[tilespmem:s20], [sflag:$0x3] =	stream.linear.gather [hbm4b:s12+s4], $0x3100, $0x38;
	[tilespmem:$0x18880] =	vst v63  }
0x1f8: {  	_ =	swait.ge [sflag:s7], $0x3100  }
0x1f9: {  	[sflag:s7] =	ssyncset.done $0x0  }
0x1fa: {  	[sflag:s7] =	ssyncadd.s32 $0xFFFFCF00  }
.LBB2_19:
0x1fb: {  	_ =	swait.ge [sflag:s8], $0x3100  }
0x1fc: {  	[sflag:s8] =	ssyncset.done $0x0  }
0x1fd: {  	[sflag:s8] =	ssyncadd.s32 $0xFFFFCF00  }
.LBB2_20:
0x1fe: {  	s12 =	simm.s32 $0x9400  }
0x1ff: {  	v4 =	vld [tilespmem:s12+$0xFFFFFF90]  }
0x200: {  	v5 =	vld [tilespmem:s12+$0x70]  }
0x201: {  	v6 =	vld [tilespmem:s12+$0x40]  }
0x202: {  	v7 =	vld [tilespmem:s12+$0x60]  }
0x203: {  	v8 =	vld [tilespmem:s12+$0x50]  }
0x204: {  	v9 =	vld [tilespmem:s12+$0x30]  }
0x205: {  	v13 =	vld [tilespmem:s12+$0xFFFFFFD0]  }
0x206: {  	v20 =	vld [tilespmem:s12+$0xFFFFFFA0];
	_ =	sdelay $0x1  }
0x207: {  	v11 =	vld [tilespmem:s12+$0x0];
	v4 =	vmul.f32 $1.111111160e+00, v4;
	v8 =	vmul.f32 $1.111111160e+00, v8  }
0x208: {  	v6 =	vmul.f32 $1.111111160e+00, v6;
	v9 =	vmul.f32 $1.111111160e+00, v9  }
0x209: {  	v10 =	vadd.f32 $3.000000000e+00, v4;
	v4 =	vmul.f32 $1.111111160e+00, v5;
	v5 =	vmul.f32 $1.111111160e+00, v7  }
0x20a: {  	v13 =	vmul.f32 $1.111111160e+00, v13;
	v20 =	vmul.f32 $1.111111160e+00, v20;
	v7 =	vld [tilespmem:s12+$0xFFFFFFB0];
	v8 =	vadd.f32 $3.000000000e+00, v8  }
0x20b: {  	v22 =	vadd.f32 $3.000000000e+00, v9;
	v12 =	vmax.f32 v10, $0.0e+00;
	v14 =	vadd.f32 $3.000000000e+00, v5  }
0x20c: {  	v15 =	vadd.f32 $3.000000000e+00, v4;
	v4 =	vmul.f32 $1.111111160e+00, v11;
	v11 =	vadd.f32 $3.000000000e+00, v6  }
0x20d: {  	v6 =	vld [tilespmem:s12+$0xFFFFFFC0];
	v21 =	vmax.f32 v8, $0.0e+00;
	v5 =	vmin.f32 v12, $5.999999520e+00;
	v16 =	vmax.f32 v14, $0.0e+00  }
0x20e: {  	v12 =	vld [tilespmem:s12+$0x20];
	v17 =	vtrunc.f32 v5;
	v18 =	vmax.f32 v15, $0.0e+00;
	v19 =	vmax.f32 v11, $0.0e+00  }
0x20f: {  	v5 =	vmul.f32 $1.111111160e+00, v7;
	v19 =	vmin.f32 v19, $5.999999520e+00;
	v18 =	vmin.f32 v18, $5.999999520e+00  }
0x210: {  	v7 =	vld [tilespmem:s12+$0xFFFFFFE0];
	v9 =	vtrunc.f32 v19;
	v19 =	vmin.f32 v21, $5.999999520e+00;
	v18 =	vtrunc.f32 v18  }
0x211: {  	v21 =	vadd.f32 $3.000000000e+00, v4;
	v9 =	vcvt.f32.s32 v9;
	v19 =	vtrunc.f32 v19  }
0x212: {  	v5 =	vadd.f32 $3.000000000e+00, v5;
	v6 =	vmul.f32 $1.111111160e+00, v6;
	v18 =	vcvt.f32.s32 v18  }
0x213: {  	v4 =	vcvt.f32.s32 v19;
	v12 =	vmul.f32 $1.111111160e+00, v12;
	v19 =	vmax.f32 v22, $0.0e+00  }
0x214: {  	v23 =	vmax.f32 v5, $0.0e+00;
	v26 =	vand.u32 $0xF, v9;
	v19 =	vmin.f32 v19, $5.999999520e+00  }
0x215: {  	v18 =	vand.u32 $0xF, v18;
	v7 =	vmul.f32 $1.111111160e+00, v7;
	v24 =	vand.u32 $0xF, v4  }
0x216: {  	v4 =	vadd.f32 $3.000000000e+00, v6;
	v6 =	vadd.f32 $3.000000000e+00, v20;
	v20 =	vperm.xlane v2, v26  }
0x217: {  	v28 =	vadd.f32 $3.000000000e+00, v12;
	v19 =	vtrunc.f32 v19;
	v34 =	vperm.xlane v2, v18  }
0x218: {  	v25 =	vld [tilespmem:s12+$0xFFFFFF80];
	v23 =	vmin.f32 v23, $5.999999520e+00;
	v9 =	vperm.xlane v2, v24;
	v12 =	vperm.xlane v3, v24  }
0x219: {  	v27 =	vld [tilespmem:s12+$0xFFFFFFF0];
	v24 =	vmax.f32 v21, $0.0e+00;
	v19 =	vcvt.f32.s32 v19;
	v11 =	vmul.f32 v20, v11  }
0x21a: {  	v7 =	vadd.f32 $3.000000000e+00, v7;
	v8 =	vmul.f32 v9, v8;
	v9 =	vmax.f32 v6, $0.0e+00  }
0x21b: {  	v15 =	vmul.f32 v34, v15;
	v19 =	vand.u32 $0xF, v19;
	v9 =	vmin.f32 v9, $5.999999520e+00  }
0x21c: {  	v30 =	vperm.xlane v3, v19;
	v19 =	vperm.xlane v2, v19;
	v20 =	vadd.f32 v8, v12  }
0x21d: {  	v12 =	vmul.f32 $1.111111160e+00, v25;
	v8 =	vcvt.f32.s32 v17;
	v17 =	vmin.f32 v24, $5.999999520e+00  }
0x21e: {  	v9 =	vtrunc.f32 v9;
	v25 =	vmul.f32 $1.111111160e+00, v27;
	v27 =	vmax.f32 v28, $0.0e+00  }
0x21f: {  	v17 =	vtrunc.f32 v17;
	v29 =	vcvt.f32.s32 v9;
	v24 =	vand.u32 $0xF, v8  }
0x220: {  	v9 =	vadd.f32 $3.000000000e+00, v25;
	v25 =	vmin.f32 v27, $5.999999520e+00;
	v27 =	vadd.f32 $3.000000000e+00, v12  }
0x221: {  	v12 =	vmin.f32 v16, $5.999999520e+00;
	v16 =	vtrunc.f32 v23;
	v17 =	vcvt.f32.s32 v17  }
0x222: {  	v35 =	vmax.f32 v7, $0.0e+00;
	v8 =	vperm.xlane v3, v24;
	v25 =	vtrunc.f32 v25  }
0x223: {  	v12 =	vtrunc.f32 v12;
	v16 =	vcvt.f32.s32 v16;
	v17 =	vand.u32 $0xF, v17  }
0x224: {  	v61 =	vmin.f32 v35, $5.999999520e+00;
	v33 =	vperm.xlane v3, v17;
	v17 =	vperm.xlane v2, v17  }
0x225: {  	v31 =	vmax.f32 v27, $0.0e+00;
	v32 =	vmax.f32 v9, $0.0e+00;
	v12 =	vcvt.f32.s32 v12  }
0x226: {  	v31 =	vmin.f32 v31, $5.999999520e+00;
	v32 =	vmin.f32 v32, $5.999999520e+00;
	v17 =	vmul.f32 v17, v21  }
0x227: {  	v21 =	vand.u32 $0xF, v12;
	v12 =	vperm.xlane v3, v18;
	v18 =	vtrunc.f32 v31  }
0x228: {  	v32 =	vtrunc.f32 v32;
	v18 =	vcvt.f32.s32 v18;
	v58 =	vadd.f32 v17, v33  }
0x229: {  	v17 =	vperm.xlane v2, v21;
	v59 =	vadd.f32 v15, v12;
	v12 =	vadd.f32 $3.000000000e+00, v13  }
0x22a: {  	v13 =	vperm.xlane v3, v21;
	v15 =	vand.u32 $0xF, v18;
	v18 =	vmul.f32 v19, v22  }
0x22b: {  	v23 =	vmax.f32 v4, $0.0e+00;
	v14 =	vmul.f32 v17, v14;
	v17 =	vcvt.f32.s32 v32  }
0x22c: {  	v19 =	vperm.xlane v3, v15;
	v15 =	vperm.xlane v2, v15;
	v21 =	vmax.f32 v12, $0.0e+00  }
0x22d: {  	v16 =	vand.u32 $0xF, v16;
	v21 =	vmin.f32 v21, $5.999999520e+00;
	v63 =	vadd.f32 v18, v30  }
0x22e: {  	v60 =	vld [tilespmem:s12+$0x10];
	v18 =	vperm.xlane v2, v16;
	v22 =	vand.u32 $0xF, v17;
	v27 =	vmul.f32 v15, v27  }
0x22f: {  	v29 =	vand.u32 $0xF, v29;
	v21 =	vtrunc.f32 v21;
	v17 =	vperm.xlane v2, v22  }
0x230: {  	v14 =	vadd.f32 v14, v13;
	v15 =	vperm.xlane v3, v22;
	v22 =	vcvt.f32.s32 v25  }
0x231: {  	s21 =	simm.s32 $0x15800;
	v13 =	vperm.xlane v3, v29;
	v21 =	vcvt.f32.s32 v21;
	v25 =	vadd.f32 v27, v19  }
0x232: {  	[tilespmem:s21+$0x50] =	vst v20;
	v27 =	vtrunc.f32 v61;
	v19 =	vand.u32 $0xF, v22;
	v22 =	vperm.xlane v3, v26  }
0x233: {  	v23 =	vmin.f32 v23, $5.999999520e+00;
	[tilespmem:s21+$0x0] =	vst v58;
	v26 =	vcvt.f32.s32 v27;
	v27 =	vmul.f32 $1.111111160e+00, v60  }
0x234: {  	[tilespmem:s21+$0x70] =	vst v59;
	v20 =	vperm.xlane v2, v19;
	v62 =	vadd.f32 v11, v22;
	v22 =	vperm.xlane v2, v24  }
0x235: {  	[tilespmem:s21+$0x60] =	vst v14;
	v11 =	vand.u32 $0xF, v21;
	v14 =	vadd.f32 $3.000000000e+00, v27;
	v24 =	vtrunc.f32 v23  }
0x236: {  	[tilespmem:s21+$0x30] =	vst v63;
	v21 =	vand.u32 $0xF, v26;
	v26 =	vperm.xlane v2, v29;
	v20 =	vmul.f32 v20, v28  }
0x237: {  	[tilespmem:s21+$0xFFFFFF80] =	vst v25;
	v23 =	vperm.xlane v2, v21;
	v22 =	vmul.f32 v22, v10;
	v25 =	vmax.f32 v14, $0.0e+00  }
0x238: {  	s22 =	simm.s32 $0x0;
	s20 =	simm.s32 $0x15800;
	s12 =	simm.s32 $0x9500;
	v21 =	vperm.xlane v3, v21;
	[tilespmem:s21+$0x40] =	vst v62;
	v10 =	vperm.xlane v2, v11;
	v25 =	vmin.f32 v25, $5.999999520e+00  }
.LBB2_21:
0x239: {  	v27 =	vld [tilespmem:s12+$0xFFFFFF90];
	s22 =	sadd.s32 $0x100, s22;
	v8 =	vadd.f32 v22, v8;
	v22 =	vcvt.f32.s32 v24;
	v9 =	vmul.f32 v17, v9;
	s21 =	sadd.s32 $0x100, s21  }
0x23a: {  	v19 =	vperm.xlane v3, v19;
	v17 =	vld [tilespmem:s12+$0x70];
	p0 =	slt.u32 s22, $0x3000;
	v6 =	vmul.f32 v26, v6  }
0x23b: {  	v7 =	vmul.f32 v23, v7;
	v24 =	vld [tilespmem:s12+$0x40];
	[tilespmem:s20+$0xFFFFFF90] =	vst v8;
	v8 =	vadd.f32 v9, v15;
	v9 =	vtrunc.f32 v25  }
0x23c: {  	v16 =	vperm.xlane v3, v16;
	v12 =	vmul.f32 v10, v12;
	v19 =	vadd.f32 v20, v19;
	v15 =	vld [tilespmem:s12+$0x60]  }
0x23d: {  	v22 =	vand.u32 $0xF, v22;
	v7 =	vadd.f32 v7, v21;
	v9 =	vcvt.f32.s32 v9;
	v20 =	vld [tilespmem:s12+$0x50]  }
0x23e: {  	v5 =	vmul.f32 v18, v5;
	v6 =	vadd.f32 v6, v13;
	v10 =	vmul.f32 $1.111111160e+00, v27;
	v21 =	vld [tilespmem:s12+$0x30];
	[tilespmem:s20+$0xFFFFFFF0] =	vst v8  }
0x23f: {  	v11 =	vperm.xlane v3, v11;
	v8 =	vld [tilespmem:s12+$0xFFFFFF80];
	v17 =	vmul.f32 $1.111111160e+00, v17;
	[tilespmem:s20+$0xFFFFFFE0] =	vst v7;
	v7 =	vand.u32 $0xF, v9  }
0x240: {  	v5 =	vadd.f32 v5, v16;
	v16 =	vperm.xlane v3, v22;
	v10 =	vadd.f32 $3.000000000e+00, v10;
	v9 =	vld [tilespmem:s12+$0x0];
	[tilespmem:s20+$0x20] =	vst v19  }
0x241: {  	v11 =	vadd.f32 v12, v11;
	v18 =	vld [tilespmem:s12+$0x20];
	v13 =	vmul.f32 $1.111111160e+00, v15;
	[tilespmem:s20+$0xFFFFFFA0] =	vst v6;
	v6 =	vperm.xlane v2, v22  }
0x242: {  	v12 =	vmax.f32 v10, $0.0e+00;
	v15 =	vld [tilespmem:s12+$0xFFFFFFB0];
	v19 =	vmul.f32 $1.111111160e+00, v20;
	[tilespmem:s20+$0xFFFFFFB0] =	vst v5;
	v5 =	vperm.xlane v3, v7  }
0x243: {  	v7 =	vperm.xlane v2, v7;
	v20 =	vld [tilespmem:s12+$0xFFFFFFD0];
	v21 =	vmul.f32 $1.111111160e+00, v21;
	v13 =	vadd.f32 $3.000000000e+00, v13;
	[tilespmem:s20+$0xFFFFFFD0] =	vst v11  }
0x244: {  	v23 =	vmul.f32 $1.111111160e+00, v24;
	v17 =	vadd.f32 $3.000000000e+00, v17;
	v12 =	vmin.f32 v12, $5.999999520e+00;
	v22 =	vld [tilespmem:s12+$0xFFFFFFA0]  }
0x245: {  	v4 =	vmul.f32 v6, v4;
	v9 =	vmul.f32 $1.111111160e+00, v9;
	v11 =	vld [tilespmem:s12+$0x10];
	v24 =	vmax.f32 v13, $0.0e+00  }
0x246: {  	v23 =	vadd.f32 $3.000000000e+00, v23;
	v12 =	vtrunc.f32 v12;
	v7 =	vmul.f32 v7, v14;
	v6 =	vld [tilespmem:s12+$0xFFFFFFC0]  }
0x247: {  	v14 =	vmul.f32 $1.111111160e+00, v15;
	v15 =	vadd.f32 $3.000000000e+00, v19;
	v19 =	vmax.f32 v17, $0.0e+00  }
0x248: {  	v26 =	vmax.f32 v23, $0.0e+00;
	v4 =	vadd.f32 v4, v16;
	v20 =	vmul.f32 $1.111111160e+00, v20;
	v25 =	vld [tilespmem:s12+$0xFFFFFFE0]  }
0x249: {  	v16 =	vadd.f32 $3.000000000e+00, v21;
	v21 =	vmin.f32 v26, $5.999999520e+00;
	v26 =	vmax.f32 v15, $0.0e+00  }
0x24a: {  	v21 =	vtrunc.f32 v21;
	v27 =	vld [tilespmem:s12+$0xFFFFFFF0];
	v26 =	vmin.f32 v26, $5.999999520e+00;
	[tilespmem:s20+$0xFFFFFFC0] =	vst v4;
	v4 =	vadd.f32 v7, v5  }
0x24b: {  	v5 =	vadd.f32 $3.000000000e+00, v14;
	v7 =	vcvt.f32.s32 v21;
	v14 =	vtrunc.f32 v26  }
0x24c: {  	v21 =	vadd.f32 $3.000000000e+00, v9;
	v6 =	vmul.f32 $1.111111160e+00, v6;
	v9 =	vcvt.f32.s32 v14;
	[tilespmem:s20+$0x10] =	vst v4;
	s20 =	smov.u32 s21  }
0x24d: {  	v18 =	vmul.f32 $1.111111160e+00, v18;
	v14 =	vmul.f32 $1.111111160e+00, v25;
	v25 =	vmax.f32 v16, $0.0e+00  }
0x24e: {  	v22 =	vmul.f32 $1.111111160e+00, v22;
	v26 =	vmax.f32 v5, $0.0e+00;
	v9 =	vand.u32 $0xF, v9  }
0x24f: {  	v28 =	vand.u32 $0xF, v7;
	v4 =	vadd.f32 $3.000000000e+00, v6;
	v7 =	vperm.xlane v2, v9  }
0x250: {  	v6 =	vadd.f32 $3.000000000e+00, v22;
	v22 =	vmin.f32 v25, $5.999999520e+00;
	v25 =	vperm.xlane v2, v28  }
0x251: {  	v18 =	vadd.f32 $3.000000000e+00, v18;
	v9 =	vperm.xlane v3, v9;
	v7 =	vmul.f32 v7, v15  }
0x252: {  	v29 =	vmax.f32 v21, $0.0e+00;
	v22 =	vtrunc.f32 v22;
	v15 =	vmax.f32 v6, $0.0e+00  }
0x253: {  	v23 =	vmul.f32 v25, v23;
	v15 =	vmin.f32 v15, $5.999999520e+00;
	v9 =	vadd.f32 v7, v9  }
0x254: {  	v25 =	vmul.f32 $1.111111160e+00, v8;
	v8 =	vcvt.f32.s32 v12;
	v12 =	vmin.f32 v29, $5.999999520e+00  }
0x255: {  	v12 =	vtrunc.f32 v12;
	v15 =	vtrunc.f32 v15;
	v7 =	vadd.f32 $3.000000000e+00, v14;
	[tilespmem:s21+$0x50] =	vst v9  }
0x256: {  	v22 =	vcvt.f32.s32 v22;
	v14 =	vand.u32 $0xF, v8;
	v9 =	vmul.f32 $1.111111160e+00, v27  }
0x257: {  	v26 =	vmin.f32 v26, $5.999999520e+00;
	v8 =	vperm.xlane v3, v14;
	v27 =	vmax.f32 v18, $0.0e+00  }
0x258: {  	v19 =	vmin.f32 v19, $5.999999520e+00;
	v15 =	vcvt.f32.s32 v15;
	v9 =	vadd.f32 $3.000000000e+00, v9  }
0x259: {  	v19 =	vtrunc.f32 v19;
	v22 =	vand.u32 $0xF, v22;
	v27 =	vmin.f32 v27, $5.999999520e+00  }
0x25a: {  	v24 =	vmin.f32 v24, $5.999999520e+00;
	v25 =	vadd.f32 $3.000000000e+00, v25;
	v29 =	vperm.xlane v3, v22  }
0x25b: {  	v26 =	vtrunc.f32 v26;
	v30 =	vmax.f32 v4, $0.0e+00;
	v12 =	vcvt.f32.s32 v12  }
0x25c: {  	v19 =	vcvt.f32.s32 v19;
	v31 =	vmax.f32 v25, $0.0e+00;
	v27 =	vtrunc.f32 v27  }
0x25d: {  	v24 =	vtrunc.f32 v24;
	v22 =	vperm.xlane v2, v22;
	v12 =	vand.u32 $0xF, v12  }
0x25e: {  	v19 =	vand.u32 $0xF, v19;
	v33 =	vperm.xlane v3, v12;
	v32 =	vmax.f32 v9, $0.0e+00  }
0x25f: {  	v12 =	vperm.xlane v2, v12;
	v34 =	vand.u32 $0xF, v15;
	v15 =	vperm.xlane v2, v19  }
0x260: {  	v24 =	vcvt.f32.s32 v24;
	v31 =	vmin.f32 v31, $5.999999520e+00;
	v32 =	vmin.f32 v32, $5.999999520e+00  }
0x261: {  	v26 =	vcvt.f32.s32 v26;
	v35 =	vmax.f32 v7, $0.0e+00;
	v12 =	vmul.f32 v12, v21  }
0x262: {  	v19 =	vperm.xlane v3, v19;
	v21 =	vand.u32 $0xF, v24;
	v15 =	vmul.f32 v15, v17  }
0x263: {  	v17 =	vtrunc.f32 v31;
	v31 =	vperm.xlane v2, v21;
	v24 =	vadd.f32 v12, v33  }
0x264: {  	v17 =	vcvt.f32.s32 v17;
	v15 =	vadd.f32 v15, v19;
	v32 =	vtrunc.f32 v32  }
0x265: {  	v12 =	vadd.f32 $3.000000000e+00, v20;
	v19 =	vperm.xlane v3, v21;
	v13 =	vmul.f32 v31, v13;
	[tilespmem:s21+$0x0] =	vst v24  }
0x266: {  	v21 =	vmul.f32 v22, v16;
	v17 =	vand.u32 $0xF, v17;
	v20 =	vcvt.f32.s32 v32;
	[tilespmem:s21+$0x70] =	vst v15  }
0x267: {  	v16 =	vperm.xlane v3, v17;
	v19 =	vadd.f32 v13, v19;
	v15 =	vperm.xlane v2, v17  }
0x268: {  	v13 =	vperm.xlane v3, v34;
	v20 =	vand.u32 $0xF, v20;
	v17 =	vmax.f32 v12, $0.0e+00  }
0x269: {  	v24 =	vmin.f32 v17, $5.999999520e+00;
	v17 =	vperm.xlane v2, v20;
	v22 =	vmul.f32 v15, v25;
	[tilespmem:s21+$0x60] =	vst v19  }
0x26a: {  	v15 =	vperm.xlane v3, v20;
	v20 =	vcvt.f32.s32 v27;
	v19 =	vmin.f32 v35, $5.999999520e+00  }
0x26b: {  	v24 =	vtrunc.f32 v24;
	v22 =	vadd.f32 v22, v16;
	v16 =	vand.u32 $0xF, v26  }
0x26c: {  	v25 =	vtrunc.f32 v19;
	v19 =	vand.u32 $0xF, v20;
	v20 =	vperm.xlane v3, v28  }
0x26d: {  	v26 =	vmin.f32 v30, $5.999999520e+00;
	v25 =	vcvt.f32.s32 v25;
	[tilespmem:s21+$0xFFFFFF80] =	vst v22;
	v22 =	vperm.xlane v2, v19  }
0x26e: {  	v27 =	vmul.f32 $1.111111160e+00, v11;
	v24 =	vcvt.f32.s32 v24;
	v23 =	vadd.f32 v23, v20  }
.Ltmp14:
0x26f: {  	v21 =	vadd.f32 v21, v29;
	v28 =	vperm.xlane v2, v14;
	v20 =	vmul.f32 v22, v18;
	(pc) =	sbr.rel @p0 .LBB2_21-.Ltmp14, $4  }
0x270: {  	v14 =	vadd.f32 $3.000000000e+00, v27;
	v11 =	vand.u32 $0xF, v24;
	v18 =	vperm.xlane v2, v16;
	[tilespmem:s21+$0x40] =	vst v23  }
0x271: {  	v24 =	vtrunc.f32 v26;
	v25 =	vand.u32 $0xF, v25;
	v22 =	vmul.f32 v28, v10;
	[tilespmem:s21+$0x30] =	vst v21  }
0x272: {  	v27 =	vmax.f32 v14, $0.0e+00;
	v10 =	vperm.xlane v2, v11;
	v23 =	vperm.xlane v2, v25  }
0x273: {  	s12 =	sadd.s32 $0x100, s12;
	v26 =	vperm.xlane v2, v34;
	v21 =	vperm.xlane v3, v25;
	v25 =	vmin.f32 v27, $5.999999520e+00  }
0x274: {  	v24 =	vcvt.f32.s32 v24  }
0x275: {  	v9 =	vmul.f32 v17, v9;
	v55 =	vperm.xlane v3, v19  }
0x276: {  	v7 =	vmul.f32 v23, v7;
	v56 =	vtrunc.f32 v25  }
0x277: {  	v8 =	vadd.f32 v22, v8;
	v16 =	vperm.xlane v3, v16;
	v10 =	vmul.f32 v10, v12  }
0x278: {  	v5 =	vmul.f32 v18, v5;
	v57 =	vcvt.f32.s32 v56;
	v9 =	vadd.f32 v9, v15  }
0x279: {  	v11 =	vperm.xlane v3, v11;
	[tilespmem:s20+$0xFFFFFF90] =	vst v8;
	v59 =	vand.u32 $0xF, v24;
	v7 =	vadd.f32 v7, v21  }
0x27a: {  	v58 =	vadd.f32 v20, v55;
	v60 =	vand.u32 $0xF, v57;
	v61 =	vperm.xlane v2, v59;
	[tilespmem:s20+$0xFFFFFFF0] =	vst v9  }
0x27b: {  	v6 =	vmul.f32 v26, v6;
	v5 =	vadd.f32 v5, v16;
	[tilespmem:s20+$0xFFFFFFE0] =	vst v7;
	v2 =	vperm.xlane v2, v60  }
0x27c: {  	v63 =	vadd.f32 v10, v11;
	v62 =	vperm.xlane v3, v59;
	[tilespmem:s20+$0x20] =	vst v58;
	v4 =	vmul.f32 v61, v4  }
0x27d: {  	p0 =	seq.s32 s10, $0x17;
	v6 =	vadd.f32 v6, v13;
	v3 =	vperm.xlane v3, v60;
	[tilespmem:s20+$0xFFFFFFB0] =	vst v5;
	v2 =	vmul.f32 v2, v14  }
.Ltmp15:
0x27e: {  	s12 =	sadd.s32 s19, s17;
	[tilespmem:s20+$0xFFFFFFD0] =	vst v63;
	v4 =	vadd.f32 v4, v62;
	(pc) =	sbr.rel @p0 .LBB2_24-.Ltmp15, $4  }
0x27f: {  	s12 =	smul.u32 $0x620, s12;
	[tilespmem:s20+$0xFFFFFFA0] =	vst v6;
	v2 =	vadd.f32 v2, v3  }
0x280: {  	[tilespmem:s20+$0xFFFFFFC0] =	vst v4  }
0x281: {  	s12 =	sadd.s32 s3, s12;
	[tilespmem:s20+$0x10] =	vst v2  }
0x282: {  	[hbm4b:s12+s4] =	stream.linear.scatter [tilespmem:s9], [sflag:$0x8], $0x3100, $0x38;
	[tilespmem:$0x18880] =	vst v63  }
.Ltmp16:
0x283: {  	s12 =	sadd.s32 s19, s18;
	(pc) =	sbr.rel .LBB2_2-.Ltmp16, $3  }
0x284: {  	s12 =	smul.u32 $0x620, s12;
	_ =	sdelay $0x1  }
0x285: {  	s10 =	sadd.s32 $0x1, s10;
	s12 =	sadd.s32 s1, s12  }
0x286: {  	[tilespmem:s23], [sflag:$0x4] =	stream.linear.gather [hbm4b:s12+s4], $0x3100, $0x38;
	[tilespmem:$0x18880] =	vst v63  }
.LBB2_25:
0x287: {  	_ =	sfence.sel $0x180000  }
0x288: {  	[bflag:$0x0] =	sbarrier.arrive $0xFFFF  }
0x289: {  	_ =	strace $0x90000047  }
0x28a: {  	s0 =	stileid.u32;
	[bflag:$0x2] =	sbarrier.arrive $0xFFFF  }
0x28b: {  	p0 =	sne.s32 s0, $0x0;
	s0 =	rddreg [dreg:$0x3]  }
0x28c: {  	s0 =	sadd.s32 @!p0 $0x100000, s0  }
0x28d: {  	[sflag:s0] =	ssyncadd.tile.s32 @!p0 $0x1;
	_ =	shalt  }
.Lfunc_end2:
_tile_overlayer_lowered:
.L_overlay_start_2:
0x28e: {  	(tag) =	ssettag $0x2  }
0x28f: {  	s0 =	rddreg [dreg:$0x0];
	s2 =	stileid.u32  }
0x290: {  	s1 =	rddreg [dreg:$0x1];
	p0 =	sne.s32 s2, $0x0  }
0x291: {  	s3 =	rddreg [dreg:$0x2];
	[bflag:$0x3] =	sbarrier.arrive $0xFFFF;
	s2 =	simm.s32 @!p0 $0x1C09  }
0x292: {  	[timem:s3], [sflag:s2] =	dma.local @!p0 [hbm:s0], s1  }
0x293: {  	s0 =	simm.s32 @!p0 $0x9  }
0x294: {  	_ =	swait.ge @!p0 [sflag:s0], s1  }
0x295: {  	s1 =	ssub.s32 @!p0 $0x0, s1;
	[sflag:s0] =	ssyncset.done @!p0 $0x0  }
0x296: {  	[sflag:s0] =	ssyncadd.s32 @!p0 s1  }
0x297: {  	[bflag:$0x3] =	sbarrier.arrive $0xFFFF  }
0x298: {  	_ =	shalt  }

</sc_bundles>
